<compile_context>
chip_gen: v7x
topology: tpu7x:2x2x1
jax: 0.10.2.dev20260603
libtpu: 0.0.44.dev20260713+nightly
codegen_flags: <defaults>
</compile_context>

<pallas_src>
import dataclasses
import functools

import jax
import jax.numpy as jnp
from jax import lax
from jax.experimental import pallas as pl
from jax.experimental.pallas import tpu as pltpu
from jax.experimental.pallas import tpu_sc as plsc

N_NODES = 10000
N_PAD = 10240
N_EDGES = 320000
D_IN = 128
D_HID = 64

NC, NS = 2, 16
COLS_PER_TILE = D_HID // NS
TILE_WORDS = COLS_PER_TILE * N_PAD
E_PER_CORE = N_EDGES // NC
E_PER_TILE = N_EDGES // (NC * NS)
CHUNK = 6400
CBLK = 5120

def _mesh():
  return plsc.VectorSubcoreMesh(core_axis_name="c", subcore_axis_name="s")


_sc_params = pltpu.CompilerParams()
if "needs_layout_passes" in pltpu.CompilerParams.__dataclass_fields__:
  _sc_params = dataclasses.replace(_sc_params, needs_layout_passes=False)



def _sc_segsum(table_flat, ei_flat, with_count):

  out_type = [jax.ShapeDtypeStruct((NC, D_HID, N_PAD), jnp.float32)]
  if with_count:
    out_type.append(jax.ShapeDtypeStruct((NC * NS, N_PAD), jnp.float32))

  @functools.partial(
      pl.kernel,
      out_type=out_type,
      mesh=_mesh(),
      compiler_params=_sc_params,
      scratch_types=[
          pltpu.VMEM((TILE_WORDS,), jnp.float32),
          pltpu.VMEM((COLS_PER_TILE, N_PAD), jnp.float32),
          pltpu.VMEM((2, CHUNK), jnp.int32),
          pltpu.VMEM((2, CHUNK), jnp.int32),
          pltpu.VMEM((N_PAD,), jnp.float32),
          pltpu.SemaphoreType.DMA((2,)),
          pltpu.SemaphoreType.DMA,
      ],
  )
  def k(tab_hbm, ei_hbm, *refs):
    if with_count:
      out_hbm, cnt_hbm, tab_v, acc_v, src_v, dst_v, cnt_v, sems, tsem = refs
    else:
      out_hbm, tab_v, acc_v, src_v, dst_v, cnt_v, sems, tsem = refs
    c = lax.axis_index("c")
    s = lax.axis_index("s")
    zeros = jnp.zeros((16,), jnp.float32)
    ones = jnp.ones((16,), jnp.float32)
    jfulls = [jnp.full((16,), j, jnp.int32) for j in range(COLS_PER_TILE)]
    nch = E_PER_CORE // CHUNK
    ebase = c * E_PER_CORE
    csub = CHUNK // NS

    tab_cp = pltpu.async_copy(
        tab_hbm.at[pl.ds(s * TILE_WORDS, TILE_WORDS)], tab_v, tsem)

    def issue(ch):
      buf = lax.rem(ch, 2)
      off = ebase + lax.rem(ch, nch) * CHUNK
      pltpu.async_copy(ei_hbm.at[pl.ds(off, CHUNK)], src_v.at[buf],
                       sems.at[buf])
      pltpu.async_copy(ei_hbm.at[pl.ds(N_EDGES + off, CHUNK)], dst_v.at[buf],
                       sems.at[buf])

    issue(0)

    @plsc.parallel_loop(0, N_PAD // 16, unroll=8)
    def _(i):
      for j in range(COLS_PER_TILE):
        acc_v[j, pl.ds(i * 16, 16)] = zeros

    if with_count:
      @plsc.parallel_loop(0, N_PAD // 16, unroll=8)
      def _(i):
        cnt_v[pl.ds(i * 16, 16)] = zeros

    tab_cp.wait()

    @pl.loop(0, nch)
    def _(ch):
      buf = lax.rem(ch, 2)
      pltpu.make_async_copy(ei_hbm.at[pl.ds(0, CHUNK)], src_v.at[buf],
                            sems.at[buf]).wait()
      pltpu.make_async_copy(ei_hbm.at[pl.ds(0, CHUNK)], dst_v.at[buf],
                            sems.at[buf]).wait()

      @pl.when(ch + 1 < nch)
      def _():
        issue(ch + 1)

      if with_count:
        @plsc.parallel_loop(0, csub // 16, unroll=4)
        def _(i):
          d16 = dst_v[buf, pl.ds(s * csub + i * 16, 16)]
          plsc.addupdate_scatter(cnt_v, [d16], ones)

      @plsc.parallel_loop(0, CHUNK // 16, unroll=8)
      def _(i):
        s16 = src_v[buf, pl.ds(i * 16, 16)]
        d16 = dst_v[buf, pl.ds(i * 16, 16)]
        for j in range(COLS_PER_TILE):
          v = plsc.load_gather(tab_v, [s16 + (j * N_PAD)])
          plsc.addupdate_scatter(acc_v, [jfulls[j], d16], v)

    pltpu.sync_copy(acc_v, out_hbm.at[c, pl.ds(s * COLS_PER_TILE,
                                               COLS_PER_TILE)])
    if with_count:
      pltpu.sync_copy(cnt_v, cnt_hbm.at[c * NS + s])

  return k(table_flat, ei_flat)



_DN = (((1,), (0,)), ((), ()))
_PREC = lax.Precision.HIGHEST


def _dot3(a, b, dn):
  a_hi = a.astype(jnp.bfloat16)
  a_lo = (a - a_hi.astype(jnp.float32)).astype(jnp.bfloat16)
  b_hi = b.astype(jnp.bfloat16)
  b_lo = (b - b_hi.astype(jnp.float32)).astype(jnp.bfloat16)
  d = lambda u, v: lax.dot_general(u, v, dn,
                                   preferred_element_type=jnp.float32)
  return d(a_hi, b_hi) + (d(a_hi, b_lo) + d(a_lo, b_hi))


def _tc_proj(WcatT, xp):

  def body(w_ref, x_ref, y_ref, r_ref):
    res = _dot3(w_ref[...], x_ref[...], (((1,), (1,)), ((), ())))
    y_ref[...] = res[:D_HID]
    r_ref[...] = res[D_HID:]

  return pl.pallas_call(
      body,
      grid=(N_PAD // CBLK,),
      in_specs=[
          pl.BlockSpec((D_IN, D_IN), lambda j: (0, 0)),
          pl.BlockSpec((CBLK, D_IN), lambda j: (j, 0)),
      ],
      out_specs=[
          pl.BlockSpec((D_HID, CBLK), lambda j: (0, j)),
          pl.BlockSpec((D_HID, CBLK), lambda j: (0, j)),
      ],
      out_shape=[
          jax.ShapeDtypeStruct((D_HID, N_PAD), jnp.float32),
          jax.ShapeDtypeStruct((D_HID, N_PAD), jnp.float32),
      ],
  )(WcatT, xp)


def _tc_mid(p, cntp, rT, b, W2catT):

  def body(p_ref, c_ref, r_ref, b_ref, w_ref, y_ref, rr_ref):
    agg = p_ref[0] + p_ref[1]
    cnt = jnp.sum(c_ref[...], axis=0)
    inv = 1.0 / jnp.maximum(cnt, 1.0)
    h = jnp.maximum(agg * inv[None, :] + b_ref[...] + r_ref[...], 0.0)
    res = _dot3(w_ref[...], h, _DN)
    y_ref[...] = res[:D_HID]
    rr_ref[...] = res[D_HID:]

  return pl.pallas_call(
      body,
      grid=(N_PAD // CBLK,),
      in_specs=[
          pl.BlockSpec((NC, D_HID, CBLK), lambda j: (0, 0, j)),
          pl.BlockSpec((NC * NS, CBLK), lambda j: (0, j)),
          pl.BlockSpec((D_HID, CBLK), lambda j: (0, j)),
          pl.BlockSpec((D_HID, 1), lambda j: (0, 0)),
          pl.BlockSpec((D_IN, D_HID), lambda j: (0, 0)),
      ],
      out_specs=[
          pl.BlockSpec((D_HID, CBLK), lambda j: (0, j)),
          pl.BlockSpec((D_HID, CBLK), lambda j: (0, j)),
      ],
      out_shape=[
          jax.ShapeDtypeStruct((D_HID, N_PAD), jnp.float32),
          jax.ShapeDtypeStruct((D_HID, N_PAD), jnp.float32),
      ],
  )(p, cntp, rT, b, W2catT)


def _tc_final(p, cntp, rT, b, Wc, bc):

  def body(p_ref, c_ref, r_ref, b_ref, w_ref, bc_ref, o_ref):
    agg = p_ref[0] + p_ref[1]
    cnt = jnp.sum(c_ref[...], axis=0)
    inv = 1.0 / jnp.maximum(cnt, 1.0)
    h = jnp.maximum(agg * inv[None, :] + b_ref[...] + r_ref[...], 0.0)
    o_ref[...] = jnp.sum(h * w_ref[...], axis=0, keepdims=True) + bc_ref[0, 0]

  return pl.pallas_call(
      body,
      grid=(N_PAD // CBLK,),
      in_specs=[
          pl.BlockSpec((NC, D_HID, CBLK), lambda j: (0, 0, j)),
          pl.BlockSpec((NC * NS, CBLK), lambda j: (0, j)),
          pl.BlockSpec((D_HID, CBLK), lambda j: (0, j)),
          pl.BlockSpec((D_HID, 1), lambda j: (0, 0)),
          pl.BlockSpec((D_HID, 1), lambda j: (0, 0)),
          pl.BlockSpec((1, 1), lambda j: (0, 0)),
      ],
      out_specs=pl.BlockSpec((1, CBLK), lambda j: (0, j)),
      out_shape=jax.ShapeDtypeStruct((1, N_PAD), jnp.float32),
  )(p, cntp, rT, b, Wc, bc)



def kernel(x, edge_index, W1l, b1l, W1r, W2l, b2l, W2r, Wc, bc):
  ei_flat = edge_index.astype(jnp.int32).reshape(-1)

  xp = x
  W1catT = jnp.concatenate([W1l, W1r], axis=1).T
  W2catT = jnp.concatenate([W2l, W2r], axis=1).T

  y1T, r1T = _tc_proj(W1catT, xp)
  p1, cntp = _sc_segsum(y1T.reshape(-1), ei_flat, True)

  y2T, r2T = _tc_mid(p1, cntp, r1T, b1l.reshape(D_HID, 1), W2catT)
  p2, = _sc_segsum(y2T.reshape(-1), ei_flat, False)

  logits = _tc_final(p2, cntp, r2T, b2l.reshape(D_HID, 1), Wc,
                     bc.reshape(1, 1))
  return logits[0, :N_NODES]

# --- scband reference (transcript-rebuilt; emitter-appended) ---
"""Pipeline reference for scband-graph-sagemodel-43576738185797 (READ-ONLY COPY).

The authoritative reference and input builder live on the scoring server;
editing this copy changes nothing except your own understanding.
"""

import jax, jax.numpy as jnp
import numpy as np

N_NODES = 10000
N_EDGES = 320000
D_IN = 128
D_HID = 64


def _glorot(key, shape):
    fan_in, fan_out = shape[0], shape[1]
    limit = float(np.sqrt(6.0 / (fan_in + fan_out)))
    return jax.random.uniform(key, shape, dtype=jnp.float32, minval=-limit, maxval=limit)


def setup_inputs(seed: int = 0) -> dict:
    key = jax.random.key(seed)
    ks = jax.random.split(key, 10)
    x = jax.random.normal(ks[0], (N_NODES, D_IN), dtype=jnp.float32)
    edge_index = jax.random.randint(ks[1], (2, N_EDGES), 0, N_NODES, dtype=jnp.int64)
    # SAGEConv1: lin_l (applied to aggregated neighbors, with bias), lin_r (applied to root, no bias)
    W1l = _glorot(ks[2], (D_IN, D_HID))
    b1l = jnp.zeros((D_HID,), dtype=jnp.float32)
    W1r = _glorot(ks[3], (D_IN, D_HID))
    # SAGEConv2
    W2l = _glorot(ks[4], (D_HID, D_HID))
    b2l = jnp.zeros((D_HID,), dtype=jnp.float32)
    W2r = _glorot(ks[5], (D_HID, D_HID))
    # classifier Linear(hidden, 1)
    Wc = _glorot(ks[6], (D_HID, 1))
    bc = jnp.zeros((1,), dtype=jnp.float32)
    return {"x": x, "edge_index": edge_index, "W1l": W1l, "b1l": b1l, "W1r": W1r,
            "W2l": W2l, "b2l": b2l, "W2r": W2r, "Wc": Wc, "bc": bc}


def _sage_conv(x, src, dst, Wl, bl, Wr):
    n = x.shape[0]
    msg = jnp.take(x, src, axis=0)                              # gather source node features
    agg = jax.ops.segment_sum(msg, dst, num_segments=n)          # scatter-add by destination
    cnt = jax.ops.segment_sum(jnp.ones((src.shape[0], 1), dtype=x.dtype), dst, num_segments=n)
    agg = agg / jnp.maximum(cnt, 1.0)                            # mean aggregation
    return agg @ Wl + bl + x @ Wr


def reference(x, edge_index, W1l, b1l, W1r, W2l, b2l, W2r, Wc, bc):
    src = edge_index[0]
    dst = edge_index[1]
    h = _sage_conv(x, src, dst, W1l, b1l, W1r)
    h = jax.nn.relu(h)
    h = _sage_conv(h, src, dst, W2l, b2l, W2r)
    h = jax.nn.relu(h)
    logits = (h @ Wc + bc).squeeze(-1)
    return logits

if __name__ == "__main__":
    import jax
    _d = setup_inputs()
    print(jax.jit(kernel)(*tuple(_d.values())))

</pallas_src>

<mosaic_0001>
#map = affine_map<(d0, d1) -> (0)>
#map1 = affine_map<(d0, d1) -> (0, 0, 0)>
module attributes {stable_mosaic.version = 14 : i64} {
  func.func @k(%arg0: i32, %arg1: i32, %arg2: memref<655360xf32, #tpu.memory_space<hbm>>, %arg3: memref<640000xi32, #tpu.memory_space<hbm>>, %arg4: memref<2x64x10240xf32, #tpu.memory_space<hbm>>, %arg5: memref<40960xf32, #tpu.memory_space<vmem>>, %arg6: memref<4x10240xf32, #tpu.memory_space<vmem>>, %arg7: memref<2x6400xi32, #tpu.memory_space<vmem>>, %arg8: memref<2x6400xi32, #tpu.memory_space<vmem>>, %arg9: memref<10240xf32, #tpu.memory_space<vmem>>, %arg10: memref<2x!tpu.dma_semaphore, #tpu.memory_space<semaphore_mem>>, %arg11: memref<!tpu.dma_semaphore, #tpu.memory_space<semaphore_mem>>) attributes {dimension_semantics = [#tpu.dimension_semantics<core_parallel>, #tpu.dimension_semantics<subcore_parallel>], iteration_bounds = array<i64: 2, 16>, scalar_prefetch = 0 : i64, scratch_operands = 7 : i64, tpu.core_type = #tpu.core_type<sc_vector_subcore>, window_params = [{transform_indices = #map}, {transform_indices = #map}, {transform_indices = #map1}]} {
    %broadcast_in_dim3A = arith.constant 0.000000e+00 : f32
    %broadcast_in_dim3A_0 = vector.broadcast %broadcast_in_dim3A : f32 to vector<16xf32>
    %broadcast_in_dim3A_1 = arith.constant 1.000000e+00 : f32
    %broadcast_in_dim3A_2 = vector.broadcast %broadcast_in_dim3A_1 : f32 to vector<16xf32>
    %broadcast_in_dim3A_3 = arith.constant 0 : i32
    %broadcast_in_dim3A_4 = vector.broadcast %broadcast_in_dim3A_3 : i32 to vector<16xi32>
    %broadcast_in_dim3A_5 = arith.constant 1 : i32
    %broadcast_in_dim3A_6 = vector.broadcast %broadcast_in_dim3A_5 : i32 to vector<16xi32>
    %broadcast_in_dim3A_7 = arith.constant 2 : i32
    %broadcast_in_dim3A_8 = vector.broadcast %broadcast_in_dim3A_7 : i32 to vector<16xi32>
    %broadcast_in_dim3A_9 = arith.constant 3 : i32
    %broadcast_in_dim3A_10 = vector.broadcast %broadcast_in_dim3A_9 : i32 to vector<16xi32>
    %mul3A = arith.constant 160000 : i32
    %mul3A_11 = arith.muli %arg0, %mul3A : i32
    %mul3A_12 = arith.constant 40960 : i32
    %mul3A_13 = arith.muli %arg1, %mul3A_12 : i32
    %dma_start3A = tpu.memref_slice %arg2[%mul3A_13] : memref<655360xf32, #tpu.memory_space<hbm>> -> memref<40960xf32, #tpu.memory_space<hbm>>
    %dma_start3A_14 = tpu.memref_slice %arg2[%mul3A_13] : memref<655360xf32, #tpu.memory_space<hbm>> -> memref<40960xf32, #tpu.memory_space<hbm>>
    tpu.enqueue_dma source(%dma_start3A_14 : memref<40960xf32, #tpu.memory_space<hbm>>) target(%arg5 : memref<40960xf32, #tpu.memory_space<vmem>>) target_semaphore(%arg11 : memref<!tpu.dma_semaphore, #tpu.memory_space<semaphore_mem>>)
    %rem3A = arith.constant 0 : i32
    %rem3A_15 = arith.constant 2 : i32
    %rem3A_16 = arith.remsi %rem3A, %rem3A_15 : i32
    %rem3A_17 = arith.constant 0 : i32
    %rem3A_18 = arith.constant 25 : i32
    %rem3A_19 = arith.remsi %rem3A_17, %rem3A_18 : i32
    %mul3A_20 = arith.constant 6400 : i32
    %mul3A_21 = arith.muli %rem3A_19, %mul3A_20 : i32
    %add3A = arith.addi %mul3A_11, %mul3A_21 : i32
    %dma_start3A_22 = arith.constant 0 : i32
    %dma_start3A_23 = tpu.memref_slice %arg7[%rem3A_16, %dma_start3A_22] : memref<2x6400xi32, #tpu.memory_space<vmem>> -> memref<1x6400xi32, #tpu.memory_space<vmem>>
    %dma_start3A_24 = tpu.memref_squeeze %dma_start3A_23 : memref<1x6400xi32, #tpu.memory_space<vmem>> -> memref<6400xi32, #tpu.memory_space<vmem>>
    %dma_start3A_25 = tpu.memref_slice %arg3[%add3A] : memref<640000xi32, #tpu.memory_space<hbm>> -> memref<6400xi32, #tpu.memory_space<hbm>>
    %dma_start3A_26 = tpu.memref_slice %arg10[%rem3A_16] : memref<2x!tpu.dma_semaphore, #tpu.memory_space<semaphore_mem>> -> memref<1x!tpu.dma_semaphore, #tpu.memory_space<semaphore_mem>>
    %dma_start3A_27 = tpu.memref_squeeze %dma_start3A_26 : memref<1x!tpu.dma_semaphore, #tpu.memory_space<semaphore_mem>> -> memref<!tpu.dma_semaphore, #tpu.memory_space<semaphore_mem>>
    %dma_start3A_28 = arith.constant 0 : i32
    %dma_start3A_29 = tpu.memref_slice %arg7[%rem3A_16, %dma_start3A_28] : memref<2x6400xi32, #tpu.memory_space<vmem>> -> memref<1x6400xi32, #tpu.memory_space<vmem>>
    %dma_start3A_30 = tpu.memref_squeeze %dma_start3A_29 : memref<1x6400xi32, #tpu.memory_space<vmem>> -> memref<6400xi32, #tpu.memory_space<vmem>>
    %dma_start3A_31 = tpu.memref_slice %arg3[%add3A] : memref<640000xi32, #tpu.memory_space<hbm>> -> memref<6400xi32, #tpu.memory_space<hbm>>
    tpu.enqueue_dma source(%dma_start3A_31 : memref<6400xi32, #tpu.memory_space<hbm>>) target(%dma_start3A_30 : memref<6400xi32, #tpu.memory_space<vmem>>) target_semaphore(%dma_start3A_27 : memref<!tpu.dma_semaphore, #tpu.memory_space<semaphore_mem>>)
    %add3A_32 = arith.constant 320000 : i32
    %add3A_33 = arith.addi %add3A_32, %add3A : i32
    %dma_start3A_34 = arith.constant 0 : i32
    %dma_start3A_35 = tpu.memref_slice %arg8[%rem3A_16, %dma_start3A_34] : memref<2x6400xi32, #tpu.memory_space<vmem>> -> memref<1x6400xi32, #tpu.memory_space<vmem>>
    %dma_start3A_36 = tpu.memref_squeeze %dma_start3A_35 : memref<1x6400xi32, #tpu.memory_space<vmem>> -> memref<6400xi32, #tpu.memory_space<vmem>>
    %dma_start3A_37 = tpu.memref_slice %arg3[%add3A_33] : memref<640000xi32, #tpu.memory_space<hbm>> -> memref<6400xi32, #tpu.memory_space<hbm>>
    %dma_start3A_38 = tpu.memref_slice %arg10[%rem3A_16] : memref<2x!tpu.dma_semaphore, #tpu.memory_space<semaphore_mem>> -> memref<1x!tpu.dma_semaphore, #tpu.memory_space<semaphore_mem>>
    %dma_start3A_39 = tpu.memref_squeeze %dma_start3A_38 : memref<1x!tpu.dma_semaphore, #tpu.memory_space<semaphore_mem>> -> memref<!tpu.dma_semaphore, #tpu.memory_space<semaphore_mem>>
    %dma_start3A_40 = arith.constant 0 : i32
    %dma_start3A_41 = tpu.memref_slice %arg8[%rem3A_16, %dma_start3A_40] : memref<2x6400xi32, #tpu.memory_space<vmem>> -> memref<1x6400xi32, #tpu.memory_space<vmem>>
    %dma_start3A_42 = tpu.memref_squeeze %dma_start3A_41 : memref<1x6400xi32, #tpu.memory_space<vmem>> -> memref<6400xi32, #tpu.memory_space<vmem>>
    %dma_start3A_43 = tpu.memref_slice %arg3[%add3A_33] : memref<640000xi32, #tpu.memory_space<hbm>> -> memref<6400xi32, #tpu.memory_space<hbm>>
    tpu.enqueue_dma source(%dma_start3A_43 : memref<6400xi32, #tpu.memory_space<hbm>>) target(%dma_start3A_42 : memref<6400xi32, #tpu.memory_space<vmem>>) target_semaphore(%dma_start3A_39 : memref<!tpu.dma_semaphore, #tpu.memory_space<semaphore_mem>>)
    %parallel_loop3A = arith.constant 0 : i32
    %parallel_loop3A_44 = arith.constant 640 : i32
    %parallel_loop3A_45 = arith.constant 1 : i32
    scf.for %parallel_loop3A_53 = %parallel_loop3A to %parallel_loop3A_44 step %parallel_loop3A_45  : i32 {
      %parallel_loop3A_54 = arith.constant 16 : i32
      %parallel_loop3A_55 = arith.muli %parallel_loop3A_53, %parallel_loop3A_54 : i32
      %parallel_loop3A_56 = arith.constant 0 : i32
      %parallel_loop3A_57 = arith.index_cast %parallel_loop3A_56 : i32 to index
      %parallel_loop3A_58 = arith.index_cast %parallel_loop3A_55 : i32 to index
      %parallel_loop3A_59 = tpu.vector_load %arg6[%parallel_loop3A_57, %parallel_loop3A_58] {strides = array<i32>} : memref<4x10240xf32, #tpu.memory_space<vmem>>, vector<16xf32>,
      tpu.vector_store %arg6[%parallel_loop3A_57, %parallel_loop3A_58], %broadcast_in_dim3A_0 {strides = array<i32>} : memref<4x10240xf32, #tpu.memory_space<vmem>>, vector<16xf32>,
      %parallel_loop3A_60 = arith.constant 16 : i32
      %parallel_loop3A_61 = arith.muli %parallel_loop3A_53, %parallel_loop3A_60 : i32
      %parallel_loop3A_62 = arith.constant 1 : i32
      %parallel_loop3A_63 = arith.index_cast %parallel_loop3A_62 : i32 to index
      %parallel_loop3A_64 = arith.index_cast %parallel_loop3A_61 : i32 to index
      %parallel_loop3A_65 = tpu.vector_load %arg6[%parallel_loop3A_63, %parallel_loop3A_64] {strides = array<i32>} : memref<4x10240xf32, #tpu.memory_space<vmem>>, vector<16xf32>,
      tpu.vector_store %arg6[%parallel_loop3A_63, %parallel_loop3A_64], %broadcast_in_dim3A_0 {strides = array<i32>} : memref<4x10240xf32, #tpu.memory_space<vmem>>, vector<16xf32>,
      %parallel_loop3A_66 = arith.constant 16 : i32
      %parallel_loop3A_67 = arith.muli %parallel_loop3A_53, %parallel_loop3A_66 : i32
      %parallel_loop3A_68 = arith.constant 2 : i32
      %parallel_loop3A_69 = arith.index_cast %parallel_loop3A_68 : i32 to index
      %parallel_loop3A_70 = arith.index_cast %parallel_loop3A_67 : i32 to index
      %parallel_loop3A_71 = tpu.vector_load %arg6[%parallel_loop3A_69, %parallel_loop3A_70] {strides = array<i32>} : memref<4x10240xf32, #tpu.memory_space<vmem>>, vector<16xf32>,
      tpu.vector_store %arg6[%parallel_loop3A_69, %parallel_loop3A_70], %broadcast_in_dim3A_0 {strides = array<i32>} : memref<4x10240xf32, #tpu.memory_space<vmem>>, vector<16xf32>,
      %parallel_loop3A_72 = arith.constant 16 : i32
      %parallel_loop3A_73 = arith.muli %parallel_loop3A_53, %parallel_loop3A_72 : i32
      %parallel_loop3A_74 = arith.constant 3 : i32
      %parallel_loop3A_75 = arith.index_cast %parallel_loop3A_74 : i32 to index
      %parallel_loop3A_76 = arith.index_cast %parallel_loop3A_73 : i32 to index
      %parallel_loop3A_77 = tpu.vector_load %arg6[%parallel_loop3A_75, %parallel_loop3A_76] {strides = array<i32>} : memref<4x10240xf32, #tpu.memory_space<vmem>>, vector<16xf32>,
      tpu.vector_store %arg6[%parallel_loop3A_75, %parallel_loop3A_76], %broadcast_in_dim3A_0 {strides = array<i32>} : memref<4x10240xf32, #tpu.memory_space<vmem>>, vector<16xf32>,
    } {sc.loop_unroll_factor = 8 : i64, sc.parallel_access}
    %dma_wait3A = tpu.memref_slice %arg2[%mul3A_13] : memref<655360xf32, #tpu.memory_space<hbm>> -> memref<40960xf32, #tpu.memory_space<hbm>>
    %dma_wait3A_46 = tpu.memref_slice %arg2[%mul3A_13] : memref<655360xf32, #tpu.memory_space<hbm>> -> memref<40960xf32, #tpu.memory_space<hbm>>
    tpu.wait_dma2 semaphore(%arg11 : memref<!tpu.dma_semaphore, #tpu.memory_space<semaphore_mem>>) src(%dma_wait3A_46 : memref<40960xf32, #tpu.memory_space<hbm>>) dst(%arg5 : memref<40960xf32, #tpu.memory_space<vmem>>)
    %scan3A = arith.constant 0 : i32
    %scan3A_47 = arith.constant 25 : i32
    %scan3A_48 = arith.addi %scan3A, %scan3A_47 : i32
    %scan3A_49 = arith.constant 1 : i32
    scf.for %scan3A_53 = %scan3A to %scan3A_48 step %scan3A_49  : i32 {
      %mul3A_54 = arith.constant 1 : i32
      %mul3A_55 = arith.muli %scan3A_53, %mul3A_54 : i32
      %add3A_56 = arith.constant 0 : i32
      %add3A_57 = arith.addi %add3A_56, %mul3A_55 : i32
      %rem3A_58 = arith.constant 2 : i32
      %rem3A_59 = arith.remsi %add3A_57, %rem3A_58 : i32
      %dma_wait3A_60 = arith.constant 0 : i32
      %dma_wait3A_61 = tpu.memref_slice %arg7[%rem3A_59, %dma_wait3A_60] : memref<2x6400xi32, #tpu.memory_space<vmem>> -> memref<1x6400xi32, #tpu.memory_space<vmem>>
      %dma_wait3A_62 = tpu.memref_squeeze %dma_wait3A_61 : memref<1x6400xi32, #tpu.memory_space<vmem>> -> memref<6400xi32, #tpu.memory_space<vmem>>
      %dma_wait3A_63 = arith.constant 0 : i32
      %dma_wait3A_64 = tpu.memref_slice %arg3[%dma_wait3A_63] : memref<640000xi32, #tpu.memory_space<hbm>> -> memref<6400xi32, #tpu.memory_space<hbm>>
      %dma_wait3A_65 = tpu.memref_slice %arg10[%rem3A_59] : memref<2x!tpu.dma_semaphore, #tpu.memory_space<semaphore_mem>> -> memref<1x!tpu.dma_semaphore, #tpu.memory_space<semaphore_mem>>
      %dma_wait3A_66 = tpu.memref_squeeze %dma_wait3A_65 : memref<1x!tpu.dma_semaphore, #tpu.memory_space<semaphore_mem>> -> memref<!tpu.dma_semaphore, #tpu.memory_space<semaphore_mem>>
      %dma_wait3A_67 = arith.constant 0 : i32
      %dma_wait3A_68 = tpu.memref_slice %arg7[%rem3A_59, %dma_wait3A_67] : memref<2x6400xi32, #tpu.memory_space<vmem>> -> memref<1x6400xi32, #tpu.memory_space<vmem>>
      %dma_wait3A_69 = tpu.memref_squeeze %dma_wait3A_68 : memref<1x6400xi32, #tpu.memory_space<vmem>> -> memref<6400xi32, #tpu.memory_space<vmem>>
      %dma_wait3A_70 = arith.constant 0 : i32
      %dma_wait3A_71 = tpu.memref_slice %arg3[%dma_wait3A_70] : memref<640000xi32, #tpu.memory_space<hbm>> -> memref<6400xi32, #tpu.memory_space<hbm>>
      tpu.wait_dma2 semaphore(%dma_wait3A_66 : memref<!tpu.dma_semaphore, #tpu.memory_space<semaphore_mem>>) src(%dma_wait3A_71 : memref<6400xi32, #tpu.memory_space<hbm>>) dst(%dma_wait3A_69 : memref<6400xi32, #tpu.memory_space<vmem>>)
      %dma_wait3A_72 = arith.constant 0 : i32
      %dma_wait3A_73 = tpu.memref_slice %arg8[%rem3A_59, %dma_wait3A_72] : memref<2x6400xi32, #tpu.memory_space<vmem>> -> memref<1x6400xi32, #tpu.memory_space<vmem>>
      %dma_wait3A_74 = tpu.memref_squeeze %dma_wait3A_73 : memref<1x6400xi32, #tpu.memory_space<vmem>> -> memref<6400xi32, #tpu.memory_space<vmem>>
      %dma_wait3A_75 = arith.constant 0 : i32
      %dma_wait3A_76 = tpu.memref_slice %arg3[%dma_wait3A_75] : memref<640000xi32, #tpu.memory_space<hbm>> -> memref<6400xi32, #tpu.memory_space<hbm>>
      %dma_wait3A_77 = tpu.memref_slice %arg10[%rem3A_59] : memref<2x!tpu.dma_semaphore, #tpu.memory_space<semaphore_mem>> -> memref<1x!tpu.dma_semaphore, #tpu.memory_space<semaphore_mem>>
      %dma_wait3A_78 = tpu.memref_squeeze %dma_wait3A_77 : memref<1x!tpu.dma_semaphore, #tpu.memory_space<semaphore_mem>> -> memref<!tpu.dma_semaphore, #tpu.memory_space<semaphore_mem>>
      %dma_wait3A_79 = arith.constant 0 : i32
      %dma_wait3A_80 = tpu.memref_slice %arg8[%rem3A_59, %dma_wait3A_79] : memref<2x6400xi32, #tpu.memory_space<vmem>> -> memref<1x6400xi32, #tpu.memory_space<vmem>>
      %dma_wait3A_81 = tpu.memref_squeeze %dma_wait3A_80 : memref<1x6400xi32, #tpu.memory_space<vmem>> -> memref<6400xi32, #tpu.memory_space<vmem>>
      %dma_wait3A_82 = arith.constant 0 : i32
      %dma_wait3A_83 = tpu.memref_slice %arg3[%dma_wait3A_82] : memref<640000xi32, #tpu.memory_space<hbm>> -> memref<6400xi32, #tpu.memory_space<hbm>>
      tpu.wait_dma2 semaphore(%dma_wait3A_78 : memref<!tpu.dma_semaphore, #tpu.memory_space<semaphore_mem>>) src(%dma_wait3A_83 : memref<6400xi32, #tpu.memory_space<hbm>>) dst(%dma_wait3A_81 : memref<6400xi32, #tpu.memory_space<vmem>>)
      %add3A_84 = arith.constant 1 : i32
      %add3A_85 = arith.addi %add3A_57, %add3A_84 : i32
      %lt3A = arith.constant 25 : i32
      %lt3A_86 = arith.cmpi slt, %add3A_85, %lt3A : i32
      %convert_element_type3A = arith.extui %lt3A_86 : i1 to i32
      %cond3A = arith.constant 0 : i32
      %cond3A_87 = arith.cmpi ne, %convert_element_type3A, %cond3A : i32
      scf.if %cond3A_87 {
        %add3A_91 = arith.constant 1 : i32
        %add3A_92 = arith.addi %add3A_57, %add3A_91 : i32
        %rem3A_93 = arith.constant 2 : i32
        %rem3A_94 = arith.remsi %add3A_92, %rem3A_93 : i32
        %rem3A_95 = arith.constant 25 : i32
        %rem3A_96 = arith.remsi %add3A_92, %rem3A_95 : i32
        %mul3A_97 = arith.constant 6400 : i32
        %mul3A_98 = arith.muli %rem3A_96, %mul3A_97 : i32
        %add3A_99 = arith.addi %mul3A_11, %mul3A_98 : i32
        %dma_start3A_100 = arith.constant 0 : i32
        %dma_start3A_101 = tpu.memref_slice %arg7[%rem3A_94, %dma_start3A_100] : memref<2x6400xi32, #tpu.memory_space<vmem>> -> memref<1x6400xi32, #tpu.memory_space<vmem>>
        %dma_start3A_102 = tpu.memref_squeeze %dma_start3A_101 : memref<1x6400xi32, #tpu.memory_space<vmem>> -> memref<6400xi32, #tpu.memory_space<vmem>>
        %dma_start3A_103 = tpu.memref_slice %arg3[%add3A_99] : memref<640000xi32, #tpu.memory_space<hbm>> -> memref<6400xi32, #tpu.memory_space<hbm>>
        %dma_start3A_104 = tpu.memref_slice %arg10[%rem3A_94] : memref<2x!tpu.dma_semaphore, #tpu.memory_space<semaphore_mem>> -> memref<1x!tpu.dma_semaphore, #tpu.memory_space<semaphore_mem>>
        %dma_start3A_105 = tpu.memref_squeeze %dma_start3A_104 : memref<1x!tpu.dma_semaphore, #tpu.memory_space<semaphore_mem>> -> memref<!tpu.dma_semaphore, #tpu.memory_space<semaphore_mem>>
        %dma_start3A_106 = arith.constant 0 : i32
        %dma_start3A_107 = tpu.memref_slice %arg7[%rem3A_94, %dma_start3A_106] : memref<2x6400xi32, #tpu.memory_space<vmem>> -> memref<1x6400xi32, #tpu.memory_space<vmem>>
        %dma_start3A_108 = tpu.memref_squeeze %dma_start3A_107 : memref<1x6400xi32, #tpu.memory_space<vmem>> -> memref<6400xi32, #tpu.memory_space<vmem>>
        %dma_start3A_109 = tpu.memref_slice %arg3[%add3A_99] : memref<640000xi32, #tpu.memory_space<hbm>> -> memref<6400xi32, #tpu.memory_space<hbm>>
        tpu.enqueue_dma source(%dma_start3A_109 : memref<6400xi32, #tpu.memory_space<hbm>>) target(%dma_start3A_108 : memref<6400xi32, #tpu.memory_space<vmem>>) target_semaphore(%dma_start3A_105 : memref<!tpu.dma_semaphore, #tpu.memory_space<semaphore_mem>>)
        %add3A_110 = arith.constant 320000 : i32
        %add3A_111 = arith.addi %add3A_110, %add3A_99 : i32
        %dma_start3A_112 = arith.constant 0 : i32
        %dma_start3A_113 = tpu.memref_slice %arg8[%rem3A_94, %dma_start3A_112] : memref<2x6400xi32, #tpu.memory_space<vmem>> -> memref<1x6400xi32, #tpu.memory_space<vmem>>
        %dma_start3A_114 = tpu.memref_squeeze %dma_start3A_113 : memref<1x6400xi32, #tpu.memory_space<vmem>> -> memref<6400xi32, #tpu.memory_space<vmem>>
        %dma_start3A_115 = tpu.memref_slice %arg3[%add3A_111] : memref<640000xi32, #tpu.memory_space<hbm>> -> memref<6400xi32, #tpu.memory_space<hbm>>
        %dma_start3A_116 = tpu.memref_slice %arg10[%rem3A_94] : memref<2x!tpu.dma_semaphore, #tpu.memory_space<semaphore_mem>> -> memref<1x!tpu.dma_semaphore, #tpu.memory_space<semaphore_mem>>
        %dma_start3A_117 = tpu.memref_squeeze %dma_start3A_116 : memref<1x!tpu.dma_semaphore, #tpu.memory_space<semaphore_mem>> -> memref<!tpu.dma_semaphore, #tpu.memory_space<semaphore_mem>>
        %dma_start3A_118 = arith.constant 0 : i32
        %dma_start3A_119 = tpu.memref_slice %arg8[%rem3A_94, %dma_start3A_118] : memref<2x6400xi32, #tpu.memory_space<vmem>> -> memref<1x6400xi32, #tpu.memory_space<vmem>>
        %dma_start3A_120 = tpu.memref_squeeze %dma_start3A_119 : memref<1x6400xi32, #tpu.memory_space<vmem>> -> memref<6400xi32, #tpu.memory_space<vmem>>
        %dma_start3A_121 = tpu.memref_slice %arg3[%add3A_111] : memref<640000xi32, #tpu.memory_space<hbm>> -> memref<6400xi32, #tpu.memory_space<hbm>>
        tpu.enqueue_dma source(%dma_start3A_121 : memref<6400xi32, #tpu.memory_space<hbm>>) target(%dma_start3A_120 : memref<6400xi32, #tpu.memory_space<vmem>>) target_semaphore(%dma_start3A_117 : memref<!tpu.dma_semaphore, #tpu.memory_space<semaphore_mem>>)
      } else {
      }
      %parallel_loop3A_88 = arith.constant 0 : i32
      %parallel_loop3A_89 = arith.constant 400 : i32
      %parallel_loop3A_90 = arith.constant 1 : i32
      scf.for %parallel_loop3A_91 = %parallel_loop3A_88 to %parallel_loop3A_89 step %parallel_loop3A_90  : i32 {
        %parallel_loop3A_92 = arith.constant 16 : i32
        %parallel_loop3A_93 = arith.muli %parallel_loop3A_91, %parallel_loop3A_92 : i32
        %parallel_loop3A_94 = arith.index_cast %rem3A_59 : i32 to index
        %parallel_loop3A_95 = arith.index_cast %parallel_loop3A_93 : i32 to index
        %parallel_loop3A_96 = tpu.vector_load %arg7[%parallel_loop3A_94, %parallel_loop3A_95] {strides = array<i32>} : memref<2x6400xi32, #tpu.memory_space<vmem>>, vector<16xi32>,
        %parallel_loop3A_97 = arith.constant 16 : i32
        %parallel_loop3A_98 = arith.muli %parallel_loop3A_91, %parallel_loop3A_97 : i32
        %parallel_loop3A_99 = arith.index_cast %rem3A_59 : i32 to index
        %parallel_loop3A_100 = arith.index_cast %parallel_loop3A_98 : i32 to index
        %parallel_loop3A_101 = tpu.vector_load %arg8[%parallel_loop3A_99, %parallel_loop3A_100] {strides = array<i32>} : memref<2x6400xi32, #tpu.memory_space<vmem>>, vector<16xi32>,
        %parallel_loop3A_102 = arith.constant 0 : i32
        %parallel_loop3A_103 = vector.broadcast %parallel_loop3A_102 : i32 to vector<16xi32>
        %parallel_loop3A_104 = arith.addi %parallel_loop3A_96, %parallel_loop3A_103 : vector<16xi32>
        %parallel_loop3A_105 = tpu.vector_load_idx %arg5[%parallel_loop3A_104] : memref<40960xf32, #tpu.memory_space<vmem>>[vector<16xi32>], vector<16xf32>,
        tpu.vector_store_idx %arg6[%broadcast_in_dim3A_4, %parallel_loop3A_101], %parallel_loop3A_105 {add = true} : memref<4x10240xf32, #tpu.memory_space<vmem>>[vector<16xi32>, vector<16xi32>], vector<16xf32>,
        %parallel_loop3A_106 = arith.constant 10240 : i32
        %parallel_loop3A_107 = vector.broadcast %parallel_loop3A_106 : i32 to vector<16xi32>
        %parallel_loop3A_108 = arith.addi %parallel_loop3A_96, %parallel_loop3A_107 : vector<16xi32>
        %parallel_loop3A_109 = tpu.vector_load_idx %arg5[%parallel_loop3A_108] : memref<40960xf32, #tpu.memory_space<vmem>>[vector<16xi32>], vector<16xf32>,
        tpu.vector_store_idx %arg6[%broadcast_in_dim3A_6, %parallel_loop3A_101], %parallel_loop3A_109 {add = true} : memref<4x10240xf32, #tpu.memory_space<vmem>>[vector<16xi32>, vector<16xi32>], vector<16xf32>,
        %parallel_loop3A_110 = arith.constant 20480 : i32
        %parallel_loop3A_111 = vector.broadcast %parallel_loop3A_110 : i32 to vector<16xi32>
        %parallel_loop3A_112 = arith.addi %parallel_loop3A_96, %parallel_loop3A_111 : vector<16xi32>
        %parallel_loop3A_113 = tpu.vector_load_idx %arg5[%parallel_loop3A_112] : memref<40960xf32, #tpu.memory_space<vmem>>[vector<16xi32>], vector<16xf32>,
        tpu.vector_store_idx %arg6[%broadcast_in_dim3A_8, %parallel_loop3A_101], %parallel_loop3A_113 {add = true} : memref<4x10240xf32, #tpu.memory_space<vmem>>[vector<16xi32>, vector<16xi32>], vector<16xf32>,
        %parallel_loop3A_114 = arith.constant 30720 : i32
        %parallel_loop3A_115 = vector.broadcast %parallel_loop3A_114 : i32 to vector<16xi32>
        %parallel_loop3A_116 = arith.addi %parallel_loop3A_96, %parallel_loop3A_115 : vector<16xi32>
        %parallel_loop3A_117 = tpu.vector_load_idx %arg5[%parallel_loop3A_116] : memref<40960xf32, #tpu.memory_space<vmem>>[vector<16xi32>], vector<16xf32>,
        tpu.vector_store_idx %arg6[%broadcast_in_dim3A_10, %parallel_loop3A_101], %parallel_loop3A_117 {add = true} : memref<4x10240xf32, #tpu.memory_space<vmem>>[vector<16xi32>, vector<16xi32>], vector<16xf32>,
      } {sc.loop_unroll_factor = 8 : i64, sc.parallel_access}
    }
    %scan3A_50 = arith.constant 25 : i32
    %mul3A_51 = arith.constant 4 : i32
    %mul3A_52 = arith.muli %arg1, %mul3A_51 : i32
    "tpu.region"() ({
      %run_scoped3A = tpu.sem_alloc : memref<!tpu.dma_semaphore, #tpu.memory_space<semaphore_mem>>
      %dma_start3A_53 = arith.constant 0 : i32
      %dma_start3A_54 = tpu.memref_slice %arg4[%arg0, %mul3A_52, %dma_start3A_53] : memref<2x64x10240xf32, #tpu.memory_space<hbm>> -> memref<1x4x10240xf32, #tpu.memory_space<hbm>>
      %dma_start3A_55 = tpu.memref_squeeze %dma_start3A_54 : memref<1x4x10240xf32, #tpu.memory_space<hbm>> -> memref<4x10240xf32, #tpu.memory_space<hbm>>
      %dma_start3A_56 = arith.constant 0 : i32
      %dma_start3A_57 = tpu.memref_slice %arg4[%arg0, %mul3A_52, %dma_start3A_56] : memref<2x64x10240xf32, #tpu.memory_space<hbm>> -> memref<1x4x10240xf32, #tpu.memory_space<hbm>>
      %dma_start3A_58 = tpu.memref_squeeze %dma_start3A_57 : memref<1x4x10240xf32, #tpu.memory_space<hbm>> -> memref<4x10240xf32, #tpu.memory_space<hbm>>
      tpu.enqueue_dma source(%arg6 : memref<4x10240xf32, #tpu.memory_space<vmem>>) target(%dma_start3A_58 : memref<4x10240xf32, #tpu.memory_space<hbm>>) target_semaphore(%run_scoped3A : memref<!tpu.dma_semaphore, #tpu.memory_space<semaphore_mem>>)
      %dma_wait3A_59 = arith.constant 0 : i32
      %dma_wait3A_60 = tpu.memref_slice %arg4[%arg0, %mul3A_52, %dma_wait3A_59] : memref<2x64x10240xf32, #tpu.memory_space<hbm>> -> memref<1x4x10240xf32, #tpu.memory_space<hbm>>
      %dma_wait3A_61 = tpu.memref_squeeze %dma_wait3A_60 : memref<1x4x10240xf32, #tpu.memory_space<hbm>> -> memref<4x10240xf32, #tpu.memory_space<hbm>>
      %dma_wait3A_62 = arith.constant 0 : i32
      %dma_wait3A_63 = tpu.memref_slice %arg4[%arg0, %mul3A_52, %dma_wait3A_62] : memref<2x64x10240xf32, #tpu.memory_space<hbm>> -> memref<1x4x10240xf32, #tpu.memory_space<hbm>>
      %dma_wait3A_64 = tpu.memref_squeeze %dma_wait3A_63 : memref<1x4x10240xf32, #tpu.memory_space<hbm>> -> memref<4x10240xf32, #tpu.memory_space<hbm>>
      tpu.wait_dma2 semaphore(%run_scoped3A : memref<!tpu.dma_semaphore, #tpu.memory_space<semaphore_mem>>) src(%arg6 : memref<4x10240xf32, #tpu.memory_space<vmem>>) dst(%dma_wait3A_64 : memref<4x10240xf32, #tpu.memory_space<hbm>>)
      tpu.yield
    }) : () -> ()
    return
  }
}

#map = affine_map<(d0, d1) -> (0)>
#map1 = affine_map<(d0, d1) -> (0, 0, 0)>
#map2 = affine_map<(d0, d1) -> (0, 0)>
module attributes {stable_mosaic.version = 14 : i64} {
  func.func @k(%arg0: i32, %arg1: i32, %arg2: memref<655360xf32, #tpu.memory_space<hbm>>, %arg3: memref<640000xi32, #tpu.memory_space<hbm>>, %arg4: memref<2x64x10240xf32, #tpu.memory_space<hbm>>, %arg5: memref<32x10240xf32, #tpu.memory_space<hbm>>, %arg6: memref<40960xf32, #tpu.memory_space<vmem>>, %arg7: memref<4x10240xf32, #tpu.memory_space<vmem>>, %arg8: memref<2x6400xi32, #tpu.memory_space<vmem>>, %arg9: memref<2x6400xi32, #tpu.memory_space<vmem>>, %arg10: memref<10240xf32, #tpu.memory_space<vmem>>, %arg11: memref<2x!tpu.dma_semaphore, #tpu.memory_space<semaphore_mem>>, %arg12: memref<!tpu.dma_semaphore, #tpu.memory_space<semaphore_mem>>) attributes {dimension_semantics = [#tpu.dimension_semantics<core_parallel>, #tpu.dimension_semantics<subcore_parallel>], iteration_bounds = array<i64: 2, 16>, scalar_prefetch = 0 : i64, scratch_operands = 7 : i64, tpu.core_type = #tpu.core_type<sc_vector_subcore>, window_params = [{transform_indices = #map}, {transform_indices = #map}, {transform_indices = #map1}, {transform_indices = #map2}]} {
    %broadcast_in_dim3A = arith.constant 0.000000e+00 : f32
    %broadcast_in_dim3A_0 = vector.broadcast %broadcast_in_dim3A : f32 to vector<16xf32>
    %broadcast_in_dim3A_1 = arith.constant 1.000000e+00 : f32
    %broadcast_in_dim3A_2 = vector.broadcast %broadcast_in_dim3A_1 : f32 to vector<16xf32>
    %broadcast_in_dim3A_3 = arith.constant 0 : i32
    %broadcast_in_dim3A_4 = vector.broadcast %broadcast_in_dim3A_3 : i32 to vector<16xi32>
    %broadcast_in_dim3A_5 = arith.constant 1 : i32
    %broadcast_in_dim3A_6 = vector.broadcast %broadcast_in_dim3A_5 : i32 to vector<16xi32>
    %broadcast_in_dim3A_7 = arith.constant 2 : i32
    %broadcast_in_dim3A_8 = vector.broadcast %broadcast_in_dim3A_7 : i32 to vector<16xi32>
    %broadcast_in_dim3A_9 = arith.constant 3 : i32
    %broadcast_in_dim3A_10 = vector.broadcast %broadcast_in_dim3A_9 : i32 to vector<16xi32>
    %mul3A = arith.constant 160000 : i32
    %mul3A_11 = arith.muli %arg0, %mul3A : i32
    %mul3A_12 = arith.constant 40960 : i32
    %mul3A_13 = arith.muli %arg1, %mul3A_12 : i32
    %dma_start3A = tpu.memref_slice %arg2[%mul3A_13] : memref<655360xf32, #tpu.memory_space<hbm>> -> memref<40960xf32, #tpu.memory_space<hbm>>
    %dma_start3A_14 = tpu.memref_slice %arg2[%mul3A_13] : memref<655360xf32, #tpu.memory_space<hbm>> -> memref<40960xf32, #tpu.memory_space<hbm>>
    tpu.enqueue_dma source(%dma_start3A_14 : memref<40960xf32, #tpu.memory_space<hbm>>) target(%arg6 : memref<40960xf32, #tpu.memory_space<vmem>>) target_semaphore(%arg12 : memref<!tpu.dma_semaphore, #tpu.memory_space<semaphore_mem>>)
    %rem3A = arith.constant 0 : i32
    %rem3A_15 = arith.constant 2 : i32
    %rem3A_16 = arith.remsi %rem3A, %rem3A_15 : i32
    %rem3A_17 = arith.constant 0 : i32
    %rem3A_18 = arith.constant 25 : i32
    %rem3A_19 = arith.remsi %rem3A_17, %rem3A_18 : i32
    %mul3A_20 = arith.constant 6400 : i32
    %mul3A_21 = arith.muli %rem3A_19, %mul3A_20 : i32
    %add3A = arith.addi %mul3A_11, %mul3A_21 : i32
    %dma_start3A_22 = arith.constant 0 : i32
    %dma_start3A_23 = tpu.memref_slice %arg8[%rem3A_16, %dma_start3A_22] : memref<2x6400xi32, #tpu.memory_space<vmem>> -> memref<1x6400xi32, #tpu.memory_space<vmem>>
    %dma_start3A_24 = tpu.memref_squeeze %dma_start3A_23 : memref<1x6400xi32, #tpu.memory_space<vmem>> -> memref<6400xi32, #tpu.memory_space<vmem>>
    %dma_start3A_25 = tpu.memref_slice %arg3[%add3A] : memref<640000xi32, #tpu.memory_space<hbm>> -> memref<6400xi32, #tpu.memory_space<hbm>>
    %dma_start3A_26 = tpu.memref_slice %arg11[%rem3A_16] : memref<2x!tpu.dma_semaphore, #tpu.memory_space<semaphore_mem>> -> memref<1x!tpu.dma_semaphore, #tpu.memory_space<semaphore_mem>>
    %dma_start3A_27 = tpu.memref_squeeze %dma_start3A_26 : memref<1x!tpu.dma_semaphore, #tpu.memory_space<semaphore_mem>> -> memref<!tpu.dma_semaphore, #tpu.memory_space<semaphore_mem>>
    %dma_start3A_28 = arith.constant 0 : i32
    %dma_start3A_29 = tpu.memref_slice %arg8[%rem3A_16, %dma_start3A_28] : memref<2x6400xi32, #tpu.memory_space<vmem>> -> memref<1x6400xi32, #tpu.memory_space<vmem>>
    %dma_start3A_30 = tpu.memref_squeeze %dma_start3A_29 : memref<1x6400xi32, #tpu.memory_space<vmem>> -> memref<6400xi32, #tpu.memory_space<vmem>>
    %dma_start3A_31 = tpu.memref_slice %arg3[%add3A] : memref<640000xi32, #tpu.memory_space<hbm>> -> memref<6400xi32, #tpu.memory_space<hbm>>
    tpu.enqueue_dma source(%dma_start3A_31 : memref<6400xi32, #tpu.memory_space<hbm>>) target(%dma_start3A_30 : memref<6400xi32, #tpu.memory_space<vmem>>) target_semaphore(%dma_start3A_27 : memref<!tpu.dma_semaphore, #tpu.memory_space<semaphore_mem>>)
    %add3A_32 = arith.constant 320000 : i32
    %add3A_33 = arith.addi %add3A_32, %add3A : i32
    %dma_start3A_34 = arith.constant 0 : i32
    %dma_start3A_35 = tpu.memref_slice %arg9[%rem3A_16, %dma_start3A_34] : memref<2x6400xi32, #tpu.memory_space<vmem>> -> memref<1x6400xi32, #tpu.memory_space<vmem>>
    %dma_start3A_36 = tpu.memref_squeeze %dma_start3A_35 : memref<1x6400xi32, #tpu.memory_space<vmem>> -> memref<6400xi32, #tpu.memory_space<vmem>>
    %dma_start3A_37 = tpu.memref_slice %arg3[%add3A_33] : memref<640000xi32, #tpu.memory_space<hbm>> -> memref<6400xi32, #tpu.memory_space<hbm>>
    %dma_start3A_38 = tpu.memref_slice %arg11[%rem3A_16] : memref<2x!tpu.dma_semaphore, #tpu.memory_space<semaphore_mem>> -> memref<1x!tpu.dma_semaphore, #tpu.memory_space<semaphore_mem>>
    %dma_start3A_39 = tpu.memref_squeeze %dma_start3A_38 : memref<1x!tpu.dma_semaphore, #tpu.memory_space<semaphore_mem>> -> memref<!tpu.dma_semaphore, #tpu.memory_space<semaphore_mem>>
    %dma_start3A_40 = arith.constant 0 : i32
    %dma_start3A_41 = tpu.memref_slice %arg9[%rem3A_16, %dma_start3A_40] : memref<2x6400xi32, #tpu.memory_space<vmem>> -> memref<1x6400xi32, #tpu.memory_space<vmem>>
    %dma_start3A_42 = tpu.memref_squeeze %dma_start3A_41 : memref<1x6400xi32, #tpu.memory_space<vmem>> -> memref<6400xi32, #tpu.memory_space<vmem>>
    %dma_start3A_43 = tpu.memref_slice %arg3[%add3A_33] : memref<640000xi32, #tpu.memory_space<hbm>> -> memref<6400xi32, #tpu.memory_space<hbm>>
    tpu.enqueue_dma source(%dma_start3A_43 : memref<6400xi32, #tpu.memory_space<hbm>>) target(%dma_start3A_42 : memref<6400xi32, #tpu.memory_space<vmem>>) target_semaphore(%dma_start3A_39 : memref<!tpu.dma_semaphore, #tpu.memory_space<semaphore_mem>>)
    %parallel_loop3A = arith.constant 0 : i32
    %parallel_loop3A_44 = arith.constant 640 : i32
    %parallel_loop3A_45 = arith.constant 1 : i32
    scf.for %parallel_loop3A_59 = %parallel_loop3A to %parallel_loop3A_44 step %parallel_loop3A_45  : i32 {
      %parallel_loop3A_60 = arith.constant 16 : i32
      %parallel_loop3A_61 = arith.muli %parallel_loop3A_59, %parallel_loop3A_60 : i32
      %parallel_loop3A_62 = arith.constant 0 : i32
      %parallel_loop3A_63 = arith.index_cast %parallel_loop3A_62 : i32 to index
      %parallel_loop3A_64 = arith.index_cast %parallel_loop3A_61 : i32 to index
      %parallel_loop3A_65 = tpu.vector_load %arg7[%parallel_loop3A_63, %parallel_loop3A_64] {strides = array<i32>} : memref<4x10240xf32, #tpu.memory_space<vmem>>, vector<16xf32>,
      tpu.vector_store %arg7[%parallel_loop3A_63, %parallel_loop3A_64], %broadcast_in_dim3A_0 {strides = array<i32>} : memref<4x10240xf32, #tpu.memory_space<vmem>>, vector<16xf32>,
      %parallel_loop3A_66 = arith.constant 16 : i32
      %parallel_loop3A_67 = arith.muli %parallel_loop3A_59, %parallel_loop3A_66 : i32
      %parallel_loop3A_68 = arith.constant 1 : i32
      %parallel_loop3A_69 = arith.index_cast %parallel_loop3A_68 : i32 to index
      %parallel_loop3A_70 = arith.index_cast %parallel_loop3A_67 : i32 to index
      %parallel_loop3A_71 = tpu.vector_load %arg7[%parallel_loop3A_69, %parallel_loop3A_70] {strides = array<i32>} : memref<4x10240xf32, #tpu.memory_space<vmem>>, vector<16xf32>,
      tpu.vector_store %arg7[%parallel_loop3A_69, %parallel_loop3A_70], %broadcast_in_dim3A_0 {strides = array<i32>} : memref<4x10240xf32, #tpu.memory_space<vmem>>, vector<16xf32>,
      %parallel_loop3A_72 = arith.constant 16 : i32
      %parallel_loop3A_73 = arith.muli %parallel_loop3A_59, %parallel_loop3A_72 : i32
      %parallel_loop3A_74 = arith.constant 2 : i32
      %parallel_loop3A_75 = arith.index_cast %parallel_loop3A_74 : i32 to index
      %parallel_loop3A_76 = arith.index_cast %parallel_loop3A_73 : i32 to index
      %parallel_loop3A_77 = tpu.vector_load %arg7[%parallel_loop3A_75, %parallel_loop3A_76] {strides = array<i32>} : memref<4x10240xf32, #tpu.memory_space<vmem>>, vector<16xf32>,
      tpu.vector_store %arg7[%parallel_loop3A_75, %parallel_loop3A_76], %broadcast_in_dim3A_0 {strides = array<i32>} : memref<4x10240xf32, #tpu.memory_space<vmem>>, vector<16xf32>,
      %parallel_loop3A_78 = arith.constant 16 : i32
      %parallel_loop3A_79 = arith.muli %parallel_loop3A_59, %parallel_loop3A_78 : i32
      %parallel_loop3A_80 = arith.constant 3 : i32
      %parallel_loop3A_81 = arith.index_cast %parallel_loop3A_80 : i32 to index
      %parallel_loop3A_82 = arith.index_cast %parallel_loop3A_79 : i32 to index
      %parallel_loop3A_83 = tpu.vector_load %arg7[%parallel_loop3A_81, %parallel_loop3A_82] {strides = array<i32>} : memref<4x10240xf32, #tpu.memory_space<vmem>>, vector<16xf32>,
      tpu.vector_store %arg7[%parallel_loop3A_81, %parallel_loop3A_82], %broadcast_in_dim3A_0 {strides = array<i32>} : memref<4x10240xf32, #tpu.memory_space<vmem>>, vector<16xf32>,
    } {sc.loop_unroll_factor = 8 : i64, sc.parallel_access}
    %parallel_loop3A_46 = arith.constant 0 : i32
    %parallel_loop3A_47 = arith.constant 640 : i32
    %parallel_loop3A_48 = arith.constant 1 : i32
    scf.for %parallel_loop3A_59 = %parallel_loop3A_46 to %parallel_loop3A_47 step %parallel_loop3A_48  : i32 {
      %parallel_loop3A_60 = arith.constant 16 : i32
      %parallel_loop3A_61 = arith.muli %parallel_loop3A_59, %parallel_loop3A_60 : i32
      %parallel_loop3A_62 = arith.index_cast %parallel_loop3A_61 : i32 to index
      %parallel_loop3A_63 = tpu.vector_load %arg10[%parallel_loop3A_62] {strides = array<i32>} : memref<10240xf32, #tpu.memory_space<vmem>>, vector<16xf32>,
      tpu.vector_store %arg10[%parallel_loop3A_62], %broadcast_in_dim3A_0 {strides = array<i32>} : memref<10240xf32, #tpu.memory_space<vmem>>, vector<16xf32>,
    } {sc.loop_unroll_factor = 8 : i64, sc.parallel_access}
    %dma_wait3A = tpu.memref_slice %arg2[%mul3A_13] : memref<655360xf32, #tpu.memory_space<hbm>> -> memref<40960xf32, #tpu.memory_space<hbm>>
    %dma_wait3A_49 = tpu.memref_slice %arg2[%mul3A_13] : memref<655360xf32, #tpu.memory_space<hbm>> -> memref<40960xf32, #tpu.memory_space<hbm>>
    tpu.wait_dma2 semaphore(%arg12 : memref<!tpu.dma_semaphore, #tpu.memory_space<semaphore_mem>>) src(%dma_wait3A_49 : memref<40960xf32, #tpu.memory_space<hbm>>) dst(%arg6 : memref<40960xf32, #tpu.memory_space<vmem>>)
    %scan3A = arith.constant 0 : i32
    %scan3A_50 = arith.constant 25 : i32
    %scan3A_51 = arith.addi %scan3A, %scan3A_50 : i32
    %scan3A_52 = arith.constant 1 : i32
    scf.for %scan3A_59 = %scan3A to %scan3A_51 step %scan3A_52  : i32 {
      %mul3A_60 = arith.constant 1 : i32
      %mul3A_61 = arith.muli %scan3A_59, %mul3A_60 : i32
      %add3A_62 = arith.constant 0 : i32
      %add3A_63 = arith.addi %add3A_62, %mul3A_61 : i32
      %rem3A_64 = arith.constant 2 : i32
      %rem3A_65 = arith.remsi %add3A_63, %rem3A_64 : i32
      %dma_wait3A_66 = arith.constant 0 : i32
      %dma_wait3A_67 = tpu.memref_slice %arg8[%rem3A_65, %dma_wait3A_66] : memref<2x6400xi32, #tpu.memory_space<vmem>> -> memref<1x6400xi32, #tpu.memory_space<vmem>>
      %dma_wait3A_68 = tpu.memref_squeeze %dma_wait3A_67 : memref<1x6400xi32, #tpu.memory_space<vmem>> -> memref<6400xi32, #tpu.memory_space<vmem>>
      %dma_wait3A_69 = arith.constant 0 : i32
      %dma_wait3A_70 = tpu.memref_slice %arg3[%dma_wait3A_69] : memref<640000xi32, #tpu.memory_space<hbm>> -> memref<6400xi32, #tpu.memory_space<hbm>>
      %dma_wait3A_71 = tpu.memref_slice %arg11[%rem3A_65] : memref<2x!tpu.dma_semaphore, #tpu.memory_space<semaphore_mem>> -> memref<1x!tpu.dma_semaphore, #tpu.memory_space<semaphore_mem>>
      %dma_wait3A_72 = tpu.memref_squeeze %dma_wait3A_71 : memref<1x!tpu.dma_semaphore, #tpu.memory_space<semaphore_mem>> -> memref<!tpu.dma_semaphore, #tpu.memory_space<semaphore_mem>>
      %dma_wait3A_73 = arith.constant 0 : i32
      %dma_wait3A_74 = tpu.memref_slice %arg8[%rem3A_65, %dma_wait3A_73] : memref<2x6400xi32, #tpu.memory_space<vmem>> -> memref<1x6400xi32, #tpu.memory_space<vmem>>
      %dma_wait3A_75 = tpu.memref_squeeze %dma_wait3A_74 : memref<1x6400xi32, #tpu.memory_space<vmem>> -> memref<6400xi32, #tpu.memory_space<vmem>>
      %dma_wait3A_76 = arith.constant 0 : i32
      %dma_wait3A_77 = tpu.memref_slice %arg3[%dma_wait3A_76] : memref<640000xi32, #tpu.memory_space<hbm>> -> memref<6400xi32, #tpu.memory_space<hbm>>
      tpu.wait_dma2 semaphore(%dma_wait3A_72 : memref<!tpu.dma_semaphore, #tpu.memory_space<semaphore_mem>>) src(%dma_wait3A_77 : memref<6400xi32, #tpu.memory_space<hbm>>) dst(%dma_wait3A_75 : memref<6400xi32, #tpu.memory_space<vmem>>)
      %dma_wait3A_78 = arith.constant 0 : i32
      %dma_wait3A_79 = tpu.memref_slice %arg9[%rem3A_65, %dma_wait3A_78] : memref<2x6400xi32, #tpu.memory_space<vmem>> -> memref<1x6400xi32, #tpu.memory_space<vmem>>
      %dma_wait3A_80 = tpu.memref_squeeze %dma_wait3A_79 : memref<1x6400xi32, #tpu.memory_space<vmem>> -> memref<6400xi32, #tpu.memory_space<vmem>>
      %dma_wait3A_81 = arith.constant 0 : i32
      %dma_wait3A_82 = tpu.memref_slice %arg3[%dma_wait3A_81] : memref<640000xi32, #tpu.memory_space<hbm>> -> memref<6400xi32, #tpu.memory_space<hbm>>
      %dma_wait3A_83 = tpu.memref_slice %arg11[%rem3A_65] : memref<2x!tpu.dma_semaphore, #tpu.memory_space<semaphore_mem>> -> memref<1x!tpu.dma_semaphore, #tpu.memory_space<semaphore_mem>>
      %dma_wait3A_84 = tpu.memref_squeeze %dma_wait3A_83 : memref<1x!tpu.dma_semaphore, #tpu.memory_space<semaphore_mem>> -> memref<!tpu.dma_semaphore, #tpu.memory_space<semaphore_mem>>
      %dma_wait3A_85 = arith.constant 0 : i32
      %dma_wait3A_86 = tpu.memref_slice %arg9[%rem3A_65, %dma_wait3A_85] : memref<2x6400xi32, #tpu.memory_space<vmem>> -> memref<1x6400xi32, #tpu.memory_space<vmem>>
      %dma_wait3A_87 = tpu.memref_squeeze %dma_wait3A_86 : memref<1x6400xi32, #tpu.memory_space<vmem>> -> memref<6400xi32, #tpu.memory_space<vmem>>
      %dma_wait3A_88 = arith.constant 0 : i32
      %dma_wait3A_89 = tpu.memref_slice %arg3[%dma_wait3A_88] : memref<640000xi32, #tpu.memory_space<hbm>> -> memref<6400xi32, #tpu.memory_space<hbm>>
      tpu.wait_dma2 semaphore(%dma_wait3A_84 : memref<!tpu.dma_semaphore, #tpu.memory_space<semaphore_mem>>) src(%dma_wait3A_89 : memref<6400xi32, #tpu.memory_space<hbm>>) dst(%dma_wait3A_87 : memref<6400xi32, #tpu.memory_space<vmem>>)
      %add3A_90 = arith.constant 1 : i32
      %add3A_91 = arith.addi %add3A_63, %add3A_90 : i32
      %lt3A = arith.constant 25 : i32
      %lt3A_92 = arith.cmpi slt, %add3A_91, %lt3A : i32
      %convert_element_type3A = arith.extui %lt3A_92 : i1 to i32
      %cond3A = arith.constant 0 : i32
      %cond3A_93 = arith.cmpi ne, %convert_element_type3A, %cond3A : i32
      scf.if %cond3A_93 {
        %add3A_100 = arith.constant 1 : i32
        %add3A_101 = arith.addi %add3A_63, %add3A_100 : i32
        %rem3A_102 = arith.constant 2 : i32
        %rem3A_103 = arith.remsi %add3A_101, %rem3A_102 : i32
        %rem3A_104 = arith.constant 25 : i32
        %rem3A_105 = arith.remsi %add3A_101, %rem3A_104 : i32
        %mul3A_106 = arith.constant 6400 : i32
        %mul3A_107 = arith.muli %rem3A_105, %mul3A_106 : i32
        %add3A_108 = arith.addi %mul3A_11, %mul3A_107 : i32
        %dma_start3A_109 = arith.constant 0 : i32
        %dma_start3A_110 = tpu.memref_slice %arg8[%rem3A_103, %dma_start3A_109] : memref<2x6400xi32, #tpu.memory_space<vmem>> -> memref<1x6400xi32, #tpu.memory_space<vmem>>
        %dma_start3A_111 = tpu.memref_squeeze %dma_start3A_110 : memref<1x6400xi32, #tpu.memory_space<vmem>> -> memref<6400xi32, #tpu.memory_space<vmem>>
        %dma_start3A_112 = tpu.memref_slice %arg3[%add3A_108] : memref<640000xi32, #tpu.memory_space<hbm>> -> memref<6400xi32, #tpu.memory_space<hbm>>
        %dma_start3A_113 = tpu.memref_slice %arg11[%rem3A_103] : memref<2x!tpu.dma_semaphore, #tpu.memory_space<semaphore_mem>> -> memref<1x!tpu.dma_semaphore, #tpu.memory_space<semaphore_mem>>
        %dma_start3A_114 = tpu.memref_squeeze %dma_start3A_113 : memref<1x!tpu.dma_semaphore, #tpu.memory_space<semaphore_mem>> -> memref<!tpu.dma_semaphore, #tpu.memory_space<semaphore_mem>>
        %dma_start3A_115 = arith.constant 0 : i32
        %dma_start3A_116 = tpu.memref_slice %arg8[%rem3A_103, %dma_start3A_115] : memref<2x6400xi32, #tpu.memory_space<vmem>> -> memref<1x6400xi32, #tpu.memory_space<vmem>>
        %dma_start3A_117 = tpu.memref_squeeze %dma_start3A_116 : memref<1x6400xi32, #tpu.memory_space<vmem>> -> memref<6400xi32, #tpu.memory_space<vmem>>
        %dma_start3A_118 = tpu.memref_slice %arg3[%add3A_108] : memref<640000xi32, #tpu.memory_space<hbm>> -> memref<6400xi32, #tpu.memory_space<hbm>>
        tpu.enqueue_dma source(%dma_start3A_118 : memref<6400xi32, #tpu.memory_space<hbm>>) target(%dma_start3A_117 : memref<6400xi32, #tpu.memory_space<vmem>>) target_semaphore(%dma_start3A_114 : memref<!tpu.dma_semaphore, #tpu.memory_space<semaphore_mem>>)
        %add3A_119 = arith.constant 320000 : i32
        %add3A_120 = arith.addi %add3A_119, %add3A_108 : i32
        %dma_start3A_121 = arith.constant 0 : i32
        %dma_start3A_122 = tpu.memref_slice %arg9[%rem3A_103, %dma_start3A_121] : memref<2x6400xi32, #tpu.memory_space<vmem>> -> memref<1x6400xi32, #tpu.memory_space<vmem>>
        %dma_start3A_123 = tpu.memref_squeeze %dma_start3A_122 : memref<1x6400xi32, #tpu.memory_space<vmem>> -> memref<6400xi32, #tpu.memory_space<vmem>>
        %dma_start3A_124 = tpu.memref_slice %arg3[%add3A_120] : memref<640000xi32, #tpu.memory_space<hbm>> -> memref<6400xi32, #tpu.memory_space<hbm>>
        %dma_start3A_125 = tpu.memref_slice %arg11[%rem3A_103] : memref<2x!tpu.dma_semaphore, #tpu.memory_space<semaphore_mem>> -> memref<1x!tpu.dma_semaphore, #tpu.memory_space<semaphore_mem>>
        %dma_start3A_126 = tpu.memref_squeeze %dma_start3A_125 : memref<1x!tpu.dma_semaphore, #tpu.memory_space<semaphore_mem>> -> memref<!tpu.dma_semaphore, #tpu.memory_space<semaphore_mem>>
        %dma_start3A_127 = arith.constant 0 : i32
        %dma_start3A_128 = tpu.memref_slice %arg9[%rem3A_103, %dma_start3A_127] : memref<2x6400xi32, #tpu.memory_space<vmem>> -> memref<1x6400xi32, #tpu.memory_space<vmem>>
        %dma_start3A_129 = tpu.memref_squeeze %dma_start3A_128 : memref<1x6400xi32, #tpu.memory_space<vmem>> -> memref<6400xi32, #tpu.memory_space<vmem>>
        %dma_start3A_130 = tpu.memref_slice %arg3[%add3A_120] : memref<640000xi32, #tpu.memory_space<hbm>> -> memref<6400xi32, #tpu.memory_space<hbm>>
        tpu.enqueue_dma source(%dma_start3A_130 : memref<6400xi32, #tpu.memory_space<hbm>>) target(%dma_start3A_129 : memref<6400xi32, #tpu.memory_space<vmem>>) target_semaphore(%dma_start3A_126 : memref<!tpu.dma_semaphore, #tpu.memory_space<semaphore_mem>>)
      } else {
      }
      %parallel_loop3A_94 = arith.constant 0 : i32
      %parallel_loop3A_95 = arith.constant 25 : i32
      %parallel_loop3A_96 = arith.constant 1 : i32
      scf.for %parallel_loop3A_100 = %parallel_loop3A_94 to %parallel_loop3A_95 step %parallel_loop3A_96  : i32 {
        %parallel_loop3A_101 = arith.constant 400 : i32
        %parallel_loop3A_102 = arith.muli %arg1, %parallel_loop3A_101 : i32
        %parallel_loop3A_103 = arith.constant 16 : i32
        %parallel_loop3A_104 = arith.muli %parallel_loop3A_100, %parallel_loop3A_103 : i32
        %parallel_loop3A_105 = arith.addi %parallel_loop3A_102, %parallel_loop3A_104 : i32
        %parallel_loop3A_106 = arith.index_cast %rem3A_65 : i32 to index
        %parallel_loop3A_107 = arith.index_cast %parallel_loop3A_105 : i32 to index
        %parallel_loop3A_108 = tpu.vector_load %arg9[%parallel_loop3A_106, %parallel_loop3A_107] {strides = array<i32>} : memref<2x6400xi32, #tpu.memory_space<vmem>>, vector<16xi32>,
        tpu.vector_store_idx %arg10[%parallel_loop3A_108], %broadcast_in_dim3A_2 {add = true} : memref<10240xf32, #tpu.memory_space<vmem>>[vector<16xi32>], vector<16xf32>,
      } {sc.loop_unroll_factor = 4 : i64, sc.parallel_access}
      %parallel_loop3A_97 = arith.constant 0 : i32
      %parallel_loop3A_98 = arith.constant 400 : i32
      %parallel_loop3A_99 = arith.constant 1 : i32
      scf.for %parallel_loop3A_100 = %parallel_loop3A_97 to %parallel_loop3A_98 step %parallel_loop3A_99  : i32 {
        %parallel_loop3A_101 = arith.constant 16 : i32
        %parallel_loop3A_102 = arith.muli %parallel_loop3A_100, %parallel_loop3A_101 : i32
        %parallel_loop3A_103 = arith.index_cast %rem3A_65 : i32 to index
        %parallel_loop3A_104 = arith.index_cast %parallel_loop3A_102 : i32 to index
        %parallel_loop3A_105 = tpu.vector_load %arg8[%parallel_loop3A_103, %parallel_loop3A_104] {strides = array<i32>} : memref<2x6400xi32, #tpu.memory_space<vmem>>, vector<16xi32>,
        %parallel_loop3A_106 = arith.constant 16 : i32
        %parallel_loop3A_107 = arith.muli %parallel_loop3A_100, %parallel_loop3A_106 : i32
        %parallel_loop3A_108 = arith.index_cast %rem3A_65 : i32 to index
        %parallel_loop3A_109 = arith.index_cast %parallel_loop3A_107 : i32 to index
        %parallel_loop3A_110 = tpu.vector_load %arg9[%parallel_loop3A_108, %parallel_loop3A_109] {strides = array<i32>} : memref<2x6400xi32, #tpu.memory_space<vmem>>, vector<16xi32>,
        %parallel_loop3A_111 = arith.constant 0 : i32
        %parallel_loop3A_112 = vector.broadcast %parallel_loop3A_111 : i32 to vector<16xi32>
        %parallel_loop3A_113 = arith.addi %parallel_loop3A_105, %parallel_loop3A_112 : vector<16xi32>
        %parallel_loop3A_114 = tpu.vector_load_idx %arg6[%parallel_loop3A_113] : memref<40960xf32, #tpu.memory_space<vmem>>[vector<16xi32>], vector<16xf32>,
        tpu.vector_store_idx %arg7[%broadcast_in_dim3A_4, %parallel_loop3A_110], %parallel_loop3A_114 {add = true} : memref<4x10240xf32, #tpu.memory_space<vmem>>[vector<16xi32>, vector<16xi32>], vector<16xf32>,
        %parallel_loop3A_115 = arith.constant 10240 : i32
        %parallel_loop3A_116 = vector.broadcast %parallel_loop3A_115 : i32 to vector<16xi32>
        %parallel_loop3A_117 = arith.addi %parallel_loop3A_105, %parallel_loop3A_116 : vector<16xi32>
        %parallel_loop3A_118 = tpu.vector_load_idx %arg6[%parallel_loop3A_117] : memref<40960xf32, #tpu.memory_space<vmem>>[vector<16xi32>], vector<16xf32>,
        tpu.vector_store_idx %arg7[%broadcast_in_dim3A_6, %parallel_loop3A_110], %parallel_loop3A_118 {add = true} : memref<4x10240xf32, #tpu.memory_space<vmem>>[vector<16xi32>, vector<16xi32>], vector<16xf32>,
        %parallel_loop3A_119 = arith.constant 20480 : i32
        %parallel_loop3A_120 = vector.broadcast %parallel_loop3A_119 : i32 to vector<16xi32>
        %parallel_loop3A_121 = arith.addi %parallel_loop3A_105, %parallel_loop3A_120 : vector<16xi32>
        %parallel_loop3A_122 = tpu.vector_load_idx %arg6[%parallel_loop3A_121] : memref<40960xf32, #tpu.memory_space<vmem>>[vector<16xi32>], vector<16xf32>,
        tpu.vector_store_idx %arg7[%broadcast_in_dim3A_8, %parallel_loop3A_110], %parallel_loop3A_122 {add = true} : memref<4x10240xf32, #tpu.memory_space<vmem>>[vector<16xi32>, vector<16xi32>], vector<16xf32>,
        %parallel_loop3A_123 = arith.constant 30720 : i32
        %parallel_loop3A_124 = vector.broadcast %parallel_loop3A_123 : i32 to vector<16xi32>
        %parallel_loop3A_125 = arith.addi %parallel_loop3A_105, %parallel_loop3A_124 : vector<16xi32>
        %parallel_loop3A_126 = tpu.vector_load_idx %arg6[%parallel_loop3A_125] : memref<40960xf32, #tpu.memory_space<vmem>>[vector<16xi32>], vector<16xf32>,
        tpu.vector_store_idx %arg7[%broadcast_in_dim3A_10, %parallel_loop3A_110], %parallel_loop3A_126 {add = true} : memref<4x10240xf32, #tpu.memory_space<vmem>>[vector<16xi32>, vector<16xi32>], vector<16xf32>,
      } {sc.loop_unroll_factor = 8 : i64, sc.parallel_access}
    }
    %scan3A_53 = arith.constant 25 : i32
    %mul3A_54 = arith.constant 4 : i32
    %mul3A_55 = arith.muli %arg1, %mul3A_54 : i32
    "tpu.region"() ({
      %run_scoped3A = tpu.sem_alloc : memref<!tpu.dma_semaphore, #tpu.memory_space<semaphore_mem>>
      %dma_start3A_59 = arith.constant 0 : i32
      %dma_start3A_60 = tpu.memref_slice %arg4[%arg0, %mul3A_55, %dma_start3A_59] : memref<2x64x10240xf32, #tpu.memory_space<hbm>> -> memref<1x4x10240xf32, #tpu.memory_space<hbm>>
      %dma_start3A_61 = tpu.memref_squeeze %dma_start3A_60 : memref<1x4x10240xf32, #tpu.memory_space<hbm>> -> memref<4x10240xf32, #tpu.memory_space<hbm>>
      %dma_start3A_62 = arith.constant 0 : i32
      %dma_start3A_63 = tpu.memref_slice %arg4[%arg0, %mul3A_55, %dma_start3A_62] : memref<2x64x10240xf32, #tpu.memory_space<hbm>> -> memref<1x4x10240xf32, #tpu.memory_space<hbm>>
      %dma_start3A_64 = tpu.memref_squeeze %dma_start3A_63 : memref<1x4x10240xf32, #tpu.memory_space<hbm>> -> memref<4x10240xf32, #tpu.memory_space<hbm>>
      tpu.enqueue_dma source(%arg7 : memref<4x10240xf32, #tpu.memory_space<vmem>>) target(%dma_start3A_64 : memref<4x10240xf32, #tpu.memory_space<hbm>>) target_semaphore(%run_scoped3A : memref<!tpu.dma_semaphore, #tpu.memory_space<semaphore_mem>>)
      %dma_wait3A_65 = arith.constant 0 : i32
      %dma_wait3A_66 = tpu.memref_slice %arg4[%arg0, %mul3A_55, %dma_wait3A_65] : memref<2x64x10240xf32, #tpu.memory_space<hbm>> -> memref<1x4x10240xf32, #tpu.memory_space<hbm>>
      %dma_wait3A_67 = tpu.memref_squeeze %dma_wait3A_66 : memref<1x4x10240xf32, #tpu.memory_space<hbm>> -> memref<4x10240xf32, #tpu.memory_space<hbm>>
      %dma_wait3A_68 = arith.constant 0 : i32
      %dma_wait3A_69 = tpu.memref_slice %arg4[%arg0, %mul3A_55, %dma_wait3A_68] : memref<2x64x10240xf32, #tpu.memory_space<hbm>> -> memref<1x4x10240xf32, #tpu.memory_space<hbm>>
      %dma_wait3A_70 = tpu.memref_squeeze %dma_wait3A_69 : memref<1x4x10240xf32, #tpu.memory_space<hbm>> -> memref<4x10240xf32, #tpu.memory_space<hbm>>
      tpu.wait_dma2 semaphore(%run_scoped3A : memref<!tpu.dma_semaphore, #tpu.memory_space<semaphore_mem>>) src(%arg7 : memref<4x10240xf32, #tpu.memory_space<vmem>>) dst(%dma_wait3A_70 : memref<4x10240xf32, #tpu.memory_space<hbm>>)
      tpu.yield
    }) : () -> ()
    %mul3A_56 = arith.constant 16 : i32
    %mul3A_57 = arith.muli %arg0, %mul3A_56 : i32
    %add3A_58 = arith.addi %mul3A_57, %arg1 : i32
    "tpu.region"() ({
      %run_scoped3A = tpu.sem_alloc : memref<!tpu.dma_semaphore, #tpu.memory_space<semaphore_mem>>
      %dma_start3A_59 = arith.constant 0 : i32
      %dma_start3A_60 = tpu.memref_slice %arg5[%add3A_58, %dma_start3A_59] : memref<32x10240xf32, #tpu.memory_space<hbm>> -> memref<1x10240xf32, #tpu.memory_space<hbm>>
      %dma_start3A_61 = tpu.memref_squeeze %dma_start3A_60 : memref<1x10240xf32, #tpu.memory_space<hbm>> -> memref<10240xf32, #tpu.memory_space<hbm>>
      %dma_start3A_62 = arith.constant 0 : i32
      %dma_start3A_63 = tpu.memref_slice %arg5[%add3A_58, %dma_start3A_62] : memref<32x10240xf32, #tpu.memory_space<hbm>> -> memref<1x10240xf32, #tpu.memory_space<hbm>>
      %dma_start3A_64 = tpu.memref_squeeze %dma_start3A_63 : memref<1x10240xf32, #tpu.memory_space<hbm>> -> memref<10240xf32, #tpu.memory_space<hbm>>
      tpu.enqueue_dma source(%arg10 : memref<10240xf32, #tpu.memory_space<vmem>>) target(%dma_start3A_64 : memref<10240xf32, #tpu.memory_space<hbm>>) target_semaphore(%run_scoped3A : memref<!tpu.dma_semaphore, #tpu.memory_space<semaphore_mem>>)
      %dma_wait3A_65 = arith.constant 0 : i32
      %dma_wait3A_66 = tpu.memref_slice %arg5[%add3A_58, %dma_wait3A_65] : memref<32x10240xf32, #tpu.memory_space<hbm>> -> memref<1x10240xf32, #tpu.memory_space<hbm>>
      %dma_wait3A_67 = tpu.memref_squeeze %dma_wait3A_66 : memref<1x10240xf32, #tpu.memory_space<hbm>> -> memref<10240xf32, #tpu.memory_space<hbm>>
      %dma_wait3A_68 = arith.constant 0 : i32
      %dma_wait3A_69 = tpu.memref_slice %arg5[%add3A_58, %dma_wait3A_68] : memref<32x10240xf32, #tpu.memory_space<hbm>> -> memref<1x10240xf32, #tpu.memory_space<hbm>>
      %dma_wait3A_70 = tpu.memref_squeeze %dma_wait3A_69 : memref<1x10240xf32, #tpu.memory_space<hbm>> -> memref<10240xf32, #tpu.memory_space<hbm>>
      tpu.wait_dma2 semaphore(%run_scoped3A : memref<!tpu.dma_semaphore, #tpu.memory_space<semaphore_mem>>) src(%arg10 : memref<10240xf32, #tpu.memory_space<vmem>>) dst(%dma_wait3A_70 : memref<10240xf32, #tpu.memory_space<hbm>>)
      tpu.yield
    }) : () -> ()
    return
  }
}

module attributes {stable_mosaic.version = 14 : i64} {
  func.func @body(%arg0: i32, %arg1: memref<128x128xf32, #tpu.memory_space<vmem>>, %arg2: memref<5120x128xf32, #tpu.memory_space<vmem>>, %arg3: memref<64x5120xf32, #tpu.memory_space<vmem>>, %arg4: memref<64x5120xf32, #tpu.memory_space<vmem>>) attributes {dimension_semantics = [#tpu.dimension_semantics<arbitrary>], iteration_bounds = array<i64: 2>, scalar_prefetch = 0 : i64, scratch_operands = 0 : i64, tpu.core_type = #tpu.core_type<tc>, window_params = [{pipeline_mode = #tpu.pipeline_mode<synchronous>, transform_indices = @transform_0, window_bounds = array<i64: 128, 128>}, {transform_indices = @transform_1, window_bounds = array<i64: 5120, 128>}, {transform_indices = @transform_2, window_bounds = array<i64: 64, 5120>}, {transform_indices = @transform_3, window_bounds = array<i64: 64, 5120>}]} {
    %get3A = arith.constant 0 : index
    %get3A_0 = arith.constant 0 : index
    %get3A_1 = vector.load %arg1[%get3A, %get3A_0] : memref<128x128xf32, #tpu.memory_space<vmem>>, vector<128x128xf32>
    %get3A_2 = arith.constant 0 : index
    %get3A_3 = arith.constant 0 : index
    %get3A_4 = vector.load %arg2[%get3A_2, %get3A_3] : memref<5120x128xf32, #tpu.memory_space<vmem>>, vector<5120x128xf32>
    %convert_element_type3A = arith.truncf %get3A_1 : vector<128x128xf32> to vector<128x128xbf16>
    %convert_element_type3A_5 = arith.extf %convert_element_type3A : vector<128x128xbf16> to vector<128x128xf32>
    %sub3A = arith.subf %get3A_1, %convert_element_type3A_5 : vector<128x128xf32>
    %convert_element_type3A_6 = arith.truncf %sub3A : vector<128x128xf32> to vector<128x128xbf16>
    %convert_element_type3A_7 = arith.truncf %get3A_4 : vector<5120x128xf32> to vector<5120x128xbf16>
    %convert_element_type3A_8 = arith.extf %convert_element_type3A_7 : vector<5120x128xbf16> to vector<5120x128xf32>
    %sub3A_9 = arith.subf %get3A_4, %convert_element_type3A_8 : vector<5120x128xf32>
    %convert_element_type3A_10 = arith.truncf %sub3A_9 : vector<5120x128xf32> to vector<5120x128xbf16>
    %dot_general3A = arith.constant dense<0.000000e+00> : vector<128x5120xf32>
    %dot_general3A_11 = tpu.matmul %convert_element_type3A, %convert_element_type3A_7, %dot_general3A {dimension_numbers = #tpu.dot_dimension_numbers<[1], [1], [0], [0], [0, 0, 1, 0], [], []>, transpose_lhs_hint = false} : vector<128x128xbf16>, vector<5120x128xbf16>, vector<128x5120xf32> -> vector<128x5120xf32>
    %dot_general3A_12 = arith.constant dense<0.000000e+00> : vector<128x5120xf32>
    %dot_general3A_13 = tpu.matmul %convert_element_type3A, %convert_element_type3A_10, %dot_general3A_12 {dimension_numbers = #tpu.dot_dimension_numbers<[1], [1], [0], [0], [0, 0, 1, 0], [], []>, transpose_lhs_hint = false} : vector<128x128xbf16>, vector<5120x128xbf16>, vector<128x5120xf32> -> vector<128x5120xf32>
    %dot_general3A_14 = arith.constant dense<0.000000e+00> : vector<128x5120xf32>
    %dot_general3A_15 = tpu.matmul %convert_element_type3A_6, %convert_element_type3A_7, %dot_general3A_14 {dimension_numbers = #tpu.dot_dimension_numbers<[1], [1], [0], [0], [0, 0, 1, 0], [], []>, transpose_lhs_hint = false} : vector<128x128xbf16>, vector<5120x128xbf16>, vector<128x5120xf32> -> vector<128x5120xf32>
    %add3A = arith.addf %dot_general3A_13, %dot_general3A_15 : vector<128x5120xf32>
    %add3A_16 = arith.addf %dot_general3A_11, %add3A : vector<128x5120xf32>
    %slice3A = vector.extract_strided_slice %add3A_16 {offsets = [0, 0], sizes = [64, 5120], strides = [1, 1]} : vector<128x5120xf32> to vector<64x5120xf32>
    %swap3A = arith.constant 0 : index
    %swap3A_17 = arith.constant 0 : index
    %swap3A_18 = vector.load %arg3[%swap3A, %swap3A_17] : memref<64x5120xf32, #tpu.memory_space<vmem>>, vector<64x5120xf32>
    tpu.vector_store %arg3[%swap3A, %swap3A_17], %slice3A {strides = array<i32>} : memref<64x5120xf32, #tpu.memory_space<vmem>>, vector<64x5120xf32>,
    %slice3A_19 = vector.extract_strided_slice %add3A_16 {offsets = [64, 0], sizes = [64, 5120], strides = [1, 1]} : vector<128x5120xf32> to vector<64x5120xf32>
    %swap3A_20 = arith.constant 0 : index
    %swap3A_21 = arith.constant 0 : index
    %swap3A_22 = vector.load %arg4[%swap3A_20, %swap3A_21] : memref<64x5120xf32, #tpu.memory_space<vmem>>, vector<64x5120xf32>
    tpu.vector_store %arg4[%swap3A_20, %swap3A_21], %slice3A_19 {strides = array<i32>} : memref<64x5120xf32, #tpu.memory_space<vmem>>, vector<64x5120xf32>,
    return
  }
  func.func @transform_0(%arg0: i32) -> (i32, i32) {
    %c0_i32 = arith.constant 0 : i32
    %c0_i32_0 = arith.constant 0 : i32
    %c0_i32_1 = arith.constant 0 : i32
    return %c0_i32, %c0_i32_0 : i32, i32
  }
  func.func @transform_1(%arg0: i32) -> (i32, i32) {
    %c0_i32 = arith.constant 0 : i32
    %c0_i32_0 = arith.constant 0 : i32
    return %arg0, %c0_i32 : i32, i32
  }
  func.func @transform_2(%arg0: i32) -> (i32, i32) {
    %c0_i32 = arith.constant 0 : i32
    %c0_i32_0 = arith.constant 0 : i32
    return %c0_i32, %arg0 : i32, i32
  }
  func.func @transform_3(%arg0: i32) -> (i32, i32) {
    %c0_i32 = arith.constant 0 : i32
    %c0_i32_0 = arith.constant 0 : i32
    return %c0_i32, %arg0 : i32, i32
  }
}

module attributes {stable_mosaic.version = 14 : i64} {
  func.func @body(%arg0: i32, %arg1: memref<2x64x5120xf32, #tpu.memory_space<vmem>>, %arg2: memref<32x5120xf32, #tpu.memory_space<vmem>>, %arg3: memref<64x5120xf32, #tpu.memory_space<vmem>>, %arg4: memref<64x1xf32, #tpu.memory_space<vmem>>, %arg5: memref<128x64xf32, #tpu.memory_space<vmem>>, %arg6: memref<64x5120xf32, #tpu.memory_space<vmem>>, %arg7: memref<64x5120xf32, #tpu.memory_space<vmem>>) attributes {dimension_semantics = [#tpu.dimension_semantics<arbitrary>], iteration_bounds = array<i64: 2>, scalar_prefetch = 0 : i64, scratch_operands = 0 : i64, tpu.core_type = #tpu.core_type<tc>, window_params = [{transform_indices = @transform_0, window_bounds = array<i64: 2, 64, 5120>}, {transform_indices = @transform_1, window_bounds = array<i64: 32, 5120>}, {transform_indices = @transform_2, window_bounds = array<i64: 64, 5120>}, {pipeline_mode = #tpu.pipeline_mode<synchronous>, transform_indices = @transform_3, window_bounds = array<i64: 64, 1>}, {pipeline_mode = #tpu.pipeline_mode<synchronous>, transform_indices = @transform_4, window_bounds = array<i64: 128, 64>}, {transform_indices = @transform_5, window_bounds = array<i64: 64, 5120>}, {transform_indices = @transform_6, window_bounds = array<i64: 64, 5120>}]} {
    %get3A = arith.constant 0 : index
    %get3A_0 = arith.constant 0 : index
    %get3A_1 = arith.constant 0 : index
    %get3A_2 = vector.load %arg1[%get3A, %get3A_0, %get3A_1] : memref<2x64x5120xf32, #tpu.memory_space<vmem>>, vector<1x64x5120xf32>
    %get3A_3 = vector.shape_cast %get3A_2 : vector<1x64x5120xf32> to vector<64x5120xf32>
    %get3A_4 = arith.constant 1 : index
    %get3A_5 = arith.constant 0 : index
    %get3A_6 = arith.constant 0 : index
    %get3A_7 = vector.load %arg1[%get3A_4, %get3A_5, %get3A_6] : memref<2x64x5120xf32, #tpu.memory_space<vmem>>, vector<1x64x5120xf32>
    %get3A_8 = vector.shape_cast %get3A_7 : vector<1x64x5120xf32> to vector<64x5120xf32>
    %add3A = arith.addf %get3A_3, %get3A_8 : vector<64x5120xf32>
    %get3A_9 = arith.constant 0 : index
    %get3A_10 = arith.constant 0 : index
    %get3A_11 = vector.load %arg2[%get3A_9, %get3A_10] : memref<32x5120xf32, #tpu.memory_space<vmem>>, vector<32x5120xf32>
    %reduce_sum3A = arith.constant dense<0.000000e+00> : vector<5120xf32>
    %reduce_sum3A_12 = vector.multi_reduction <add>, %get3A_11, %reduce_sum3A [0] : vector<32x5120xf32> to vector<5120xf32>
    %max3A = arith.constant 1.000000e+00 : f32
    %max3A_13 = vector.broadcast %max3A : f32 to vector<5120xf32>
    %max3A_14 = arith.maximumf %reduce_sum3A_12, %max3A_13 : vector<5120xf32>
    %div3A = arith.constant 1.000000e+00 : f32
    %div3A_15 = vector.broadcast %div3A : f32 to vector<5120xf32>
    %div3A_16 = arith.divf %div3A_15, %max3A_14 : vector<5120xf32>
    %broadcast_in_dim3A = vector.shape_cast %div3A_16 : vector<5120xf32> to vector<1x5120xf32>
    %mul3A = vector.broadcast %broadcast_in_dim3A : vector<1x5120xf32> to vector<64x5120xf32>
    %mul3A_17 = arith.mulf %add3A, %mul3A : vector<64x5120xf32>
    %get3A_18 = arith.constant 0 : index
    %get3A_19 = arith.constant 0 : index
    %get3A_20 = vector.load %arg4[%get3A_18, %get3A_19] : memref<64x1xf32, #tpu.memory_space<vmem>>, vector<64x1xf32>
    %add3A_21 = vector.broadcast %get3A_20 : vector<64x1xf32> to vector<64x5120xf32>
    %add3A_22 = arith.addf %mul3A_17, %add3A_21 : vector<64x5120xf32>
    %get3A_23 = arith.constant 0 : index
    %get3A_24 = arith.constant 0 : index
    %get3A_25 = vector.load %arg3[%get3A_23, %get3A_24] : memref<64x5120xf32, #tpu.memory_space<vmem>>, vector<64x5120xf32>
    %add3A_26 = arith.addf %add3A_22, %get3A_25 : vector<64x5120xf32>
    %max3A_27 = arith.constant 0.000000e+00 : f32
    %max3A_28 = vector.broadcast %max3A_27 : f32 to vector<64x5120xf32>
    %max3A_29 = arith.maximumf %add3A_26, %max3A_28 : vector<64x5120xf32>
    %get3A_30 = arith.constant 0 : index
    %get3A_31 = arith.constant 0 : index
    %get3A_32 = vector.load %arg5[%get3A_30, %get3A_31] : memref<128x64xf32, #tpu.memory_space<vmem>>, vector<128x64xf32>
    %convert_element_type3A = arith.truncf %get3A_32 : vector<128x64xf32> to vector<128x64xbf16>
    %convert_element_type3A_33 = arith.extf %convert_element_type3A : vector<128x64xbf16> to vector<128x64xf32>
    %sub3A = arith.subf %get3A_32, %convert_element_type3A_33 : vector<128x64xf32>
    %convert_element_type3A_34 = arith.truncf %sub3A : vector<128x64xf32> to vector<128x64xbf16>
    %convert_element_type3A_35 = arith.truncf %max3A_29 : vector<64x5120xf32> to vector<64x5120xbf16>
    %convert_element_type3A_36 = arith.extf %convert_element_type3A_35 : vector<64x5120xbf16> to vector<64x5120xf32>
    %sub3A_37 = arith.subf %max3A_29, %convert_element_type3A_36 : vector<64x5120xf32>
    %convert_element_type3A_38 = arith.truncf %sub3A_37 : vector<64x5120xf32> to vector<64x5120xbf16>
    %dot_general3A = arith.constant dense<0.000000e+00> : vector<128x5120xf32>
    %dot_general3A_39 = tpu.matmul %convert_element_type3A, %convert_element_type3A_35, %dot_general3A {dimension_numbers = #tpu.dot_dimension_numbers<[1], [0], [0], [1], [0, 0, 1, 1], [], []>, transpose_lhs_hint = false} : vector<128x64xbf16>, vector<64x5120xbf16>, vector<128x5120xf32> -> vector<128x5120xf32>
    %dot_general3A_40 = arith.constant dense<0.000000e+00> : vector<128x5120xf32>
    %dot_general3A_41 = tpu.matmul %convert_element_type3A, %convert_element_type3A_38, %dot_general3A_40 {dimension_numbers = #tpu.dot_dimension_numbers<[1], [0], [0], [1], [0, 0, 1, 1], [], []>, transpose_lhs_hint = false} : vector<128x64xbf16>, vector<64x5120xbf16>, vector<128x5120xf32> -> vector<128x5120xf32>
    %dot_general3A_42 = arith.constant dense<0.000000e+00> : vector<128x5120xf32>
    %dot_general3A_43 = tpu.matmul %convert_element_type3A_34, %convert_element_type3A_35, %dot_general3A_42 {dimension_numbers = #tpu.dot_dimension_numbers<[1], [0], [0], [1], [0, 0, 1, 1], [], []>, transpose_lhs_hint = false} : vector<128x64xbf16>, vector<64x5120xbf16>, vector<128x5120xf32> -> vector<128x5120xf32>
    %add3A_44 = arith.addf %dot_general3A_41, %dot_general3A_43 : vector<128x5120xf32>
    %add3A_45 = arith.addf %dot_general3A_39, %add3A_44 : vector<128x5120xf32>
    %slice3A = vector.extract_strided_slice %add3A_45 {offsets = [0, 0], sizes = [64, 5120], strides = [1, 1]} : vector<128x5120xf32> to vector<64x5120xf32>
    %swap3A = arith.constant 0 : index
    %swap3A_46 = arith.constant 0 : index
    %swap3A_47 = vector.load %arg6[%swap3A, %swap3A_46] : memref<64x5120xf32, #tpu.memory_space<vmem>>, vector<64x5120xf32>
    tpu.vector_store %arg6[%swap3A, %swap3A_46], %slice3A {strides = array<i32>} : memref<64x5120xf32, #tpu.memory_space<vmem>>, vector<64x5120xf32>,
    %slice3A_48 = vector.extract_strided_slice %add3A_45 {offsets = [64, 0], sizes = [64, 5120], strides = [1, 1]} : vector<128x5120xf32> to vector<64x5120xf32>
    %swap3A_49 = arith.constant 0 : index
    %swap3A_50 = arith.constant 0 : index
    %swap3A_51 = vector.load %arg7[%swap3A_49, %swap3A_50] : memref<64x5120xf32, #tpu.memory_space<vmem>>, vector<64x5120xf32>
    tpu.vector_store %arg7[%swap3A_49, %swap3A_50], %slice3A_48 {strides = array<i32>} : memref<64x5120xf32, #tpu.memory_space<vmem>>, vector<64x5120xf32>,
    return
  }
  func.func @transform_0(%arg0: i32) -> (i32, i32, i32) {
    %c0_i32 = arith.constant 0 : i32
    %c0_i32_0 = arith.constant 0 : i32
    %c0_i32_1 = arith.constant 0 : i32
    return %c0_i32, %c0_i32_0, %arg0 : i32, i32, i32
  }
  func.func @transform_1(%arg0: i32) -> (i32, i32) {
    %c0_i32 = arith.constant 0 : i32
    %c0_i32_0 = arith.constant 0 : i32
    return %c0_i32, %arg0 : i32, i32
  }
  func.func @transform_2(%arg0: i32) -> (i32, i32) {
    %c0_i32 = arith.constant 0 : i32
    %c0_i32_0 = arith.constant 0 : i32
    return %c0_i32, %arg0 : i32, i32
  }
  func.func @transform_3(%arg0: i32) -> (i32, i32) {
    %c0_i32 = arith.constant 0 : i32
    %c0_i32_0 = arith.constant 0 : i32
    %c0_i32_1 = arith.constant 0 : i32
    return %c0_i32, %c0_i32_0 : i32, i32
  }
  func.func @transform_4(%arg0: i32) -> (i32, i32) {
    %c0_i32 = arith.constant 0 : i32
    %c0_i32_0 = arith.constant 0 : i32
    %c0_i32_1 = arith.constant 0 : i32
    return %c0_i32, %c0_i32_0 : i32, i32
  }
  func.func @transform_5(%arg0: i32) -> (i32, i32) {
    %c0_i32 = arith.constant 0 : i32
    %c0_i32_0 = arith.constant 0 : i32
    return %c0_i32, %arg0 : i32, i32
  }
  func.func @transform_6(%arg0: i32) -> (i32, i32) {
    %c0_i32 = arith.constant 0 : i32
    %c0_i32_0 = arith.constant 0 : i32
    return %c0_i32, %arg0 : i32, i32
  }
}

module attributes {stable_mosaic.version = 14 : i64} {
  func.func @body(%arg0: i32, %arg1: memref<2x64x5120xf32, #tpu.memory_space<vmem>>, %arg2: memref<32x5120xf32, #tpu.memory_space<vmem>>, %arg3: memref<64x5120xf32, #tpu.memory_space<vmem>>, %arg4: memref<64x1xf32, #tpu.memory_space<vmem>>, %arg5: memref<64x1xf32, #tpu.memory_space<vmem>>, %arg6: memref<1x1xf32, #tpu.memory_space<vmem>>, %arg7: memref<1x5120xf32, #tpu.memory_space<vmem>>) attributes {dimension_semantics = [#tpu.dimension_semantics<arbitrary>], iteration_bounds = array<i64: 2>, scalar_prefetch = 0 : i64, scratch_operands = 0 : i64, tpu.core_type = #tpu.core_type<tc>, window_params = [{transform_indices = @transform_0, window_bounds = array<i64: 2, 64, 5120>}, {transform_indices = @transform_1, window_bounds = array<i64: 32, 5120>}, {transform_indices = @transform_2, window_bounds = array<i64: 64, 5120>}, {pipeline_mode = #tpu.pipeline_mode<synchronous>, transform_indices = @transform_3, window_bounds = array<i64: 64, 1>}, {pipeline_mode = #tpu.pipeline_mode<synchronous>, transform_indices = @transform_4, window_bounds = array<i64: 64, 1>}, {pipeline_mode = #tpu.pipeline_mode<synchronous>, transform_indices = @transform_5, window_bounds = array<i64: 1, 1>}, {transform_indices = @transform_6, window_bounds = array<i64: 1, 5120>}]} {
    %get3A = arith.constant 0 : index
    %get3A_0 = arith.constant 0 : index
    %get3A_1 = arith.constant 0 : index
    %get3A_2 = vector.load %arg1[%get3A, %get3A_0, %get3A_1] : memref<2x64x5120xf32, #tpu.memory_space<vmem>>, vector<1x64x5120xf32>
    %get3A_3 = vector.shape_cast %get3A_2 : vector<1x64x5120xf32> to vector<64x5120xf32>
    %get3A_4 = arith.constant 1 : index
    %get3A_5 = arith.constant 0 : index
    %get3A_6 = arith.constant 0 : index
    %get3A_7 = vector.load %arg1[%get3A_4, %get3A_5, %get3A_6] : memref<2x64x5120xf32, #tpu.memory_space<vmem>>, vector<1x64x5120xf32>
    %get3A_8 = vector.shape_cast %get3A_7 : vector<1x64x5120xf32> to vector<64x5120xf32>
    %add3A = arith.addf %get3A_3, %get3A_8 : vector<64x5120xf32>
    %get3A_9 = arith.constant 0 : index
    %get3A_10 = arith.constant 0 : index
    %get3A_11 = vector.load %arg2[%get3A_9, %get3A_10] : memref<32x5120xf32, #tpu.memory_space<vmem>>, vector<32x5120xf32>
    %reduce_sum3A = arith.constant dense<0.000000e+00> : vector<5120xf32>
    %reduce_sum3A_12 = vector.multi_reduction <add>, %get3A_11, %reduce_sum3A [0] : vector<32x5120xf32> to vector<5120xf32>
    %max3A = arith.constant 1.000000e+00 : f32
    %max3A_13 = vector.broadcast %max3A : f32 to vector<5120xf32>
    %max3A_14 = arith.maximumf %reduce_sum3A_12, %max3A_13 : vector<5120xf32>
    %div3A = arith.constant 1.000000e+00 : f32
    %div3A_15 = vector.broadcast %div3A : f32 to vector<5120xf32>
    %div3A_16 = arith.divf %div3A_15, %max3A_14 : vector<5120xf32>
    %broadcast_in_dim3A = vector.shape_cast %div3A_16 : vector<5120xf32> to vector<1x5120xf32>
    %mul3A = vector.broadcast %broadcast_in_dim3A : vector<1x5120xf32> to vector<64x5120xf32>
    %mul3A_17 = arith.mulf %add3A, %mul3A : vector<64x5120xf32>
    %get3A_18 = arith.constant 0 : index
    %get3A_19 = arith.constant 0 : index
    %get3A_20 = vector.load %arg4[%get3A_18, %get3A_19] : memref<64x1xf32, #tpu.memory_space<vmem>>, vector<64x1xf32>
    %add3A_21 = vector.broadcast %get3A_20 : vector<64x1xf32> to vector<64x5120xf32>
    %add3A_22 = arith.addf %mul3A_17, %add3A_21 : vector<64x5120xf32>
    %get3A_23 = arith.constant 0 : index
    %get3A_24 = arith.constant 0 : index
    %get3A_25 = vector.load %arg3[%get3A_23, %get3A_24] : memref<64x5120xf32, #tpu.memory_space<vmem>>, vector<64x5120xf32>
    %add3A_26 = arith.addf %add3A_22, %get3A_25 : vector<64x5120xf32>
    %max3A_27 = arith.constant 0.000000e+00 : f32
    %max3A_28 = vector.broadcast %max3A_27 : f32 to vector<64x5120xf32>
    %max3A_29 = arith.maximumf %add3A_26, %max3A_28 : vector<64x5120xf32>
    %get3A_30 = arith.constant 0 : index
    %get3A_31 = arith.constant 0 : index
    %get3A_32 = vector.load %arg5[%get3A_30, %get3A_31] : memref<64x1xf32, #tpu.memory_space<vmem>>, vector<64x1xf32>
    %mul3A_33 = vector.broadcast %get3A_32 : vector<64x1xf32> to vector<64x5120xf32>
    %mul3A_34 = arith.mulf %max3A_29, %mul3A_33 : vector<64x5120xf32>
    %reduce_sum3A_35 = arith.constant dense<0.000000e+00> : vector<5120xf32>
    %reduce_sum3A_36 = vector.multi_reduction <add>, %mul3A_34, %reduce_sum3A_35 [0] : vector<64x5120xf32> to vector<5120xf32>
    %broadcast_in_dim3A_37 = vector.shape_cast %reduce_sum3A_36 : vector<5120xf32> to vector<1x5120xf32>
    %get3A_38 = arith.constant 0 : index
    %get3A_39 = arith.constant 0 : index
    %get3A_40 = vector.load %arg6[%get3A_38, %get3A_39] : memref<1x1xf32, #tpu.memory_space<vmem>>, vector<1x1xf32>
    %get3A_41 = vector.extract %get3A_40[0, 0] : f32 from vector<1x1xf32>
    %add3A_42 = vector.broadcast %get3A_41 : f32 to vector<1x5120xf32>
    %add3A_43 = arith.addf %broadcast_in_dim3A_37, %add3A_42 : vector<1x5120xf32>
    %swap3A = arith.constant 0 : index
    %swap3A_44 = arith.constant 0 : index
    %swap3A_45 = vector.load %arg7[%swap3A, %swap3A_44] : memref<1x5120xf32, #tpu.memory_space<vmem>>, vector<1x5120xf32>
    tpu.vector_store %arg7[%swap3A, %swap3A_44], %add3A_43 {strides = array<i32>} : memref<1x5120xf32, #tpu.memory_space<vmem>>, vector<1x5120xf32>,
    return
  }
  func.func @transform_0(%arg0: i32) -> (i32, i32, i32) {
    %c0_i32 = arith.constant 0 : i32
    %c0_i32_0 = arith.constant 0 : i32
    %c0_i32_1 = arith.constant 0 : i32
    return %c0_i32, %c0_i32_0, %arg0 : i32, i32, i32
  }
  func.func @transform_1(%arg0: i32) -> (i32, i32) {
    %c0_i32 = arith.constant 0 : i32
    %c0_i32_0 = arith.constant 0 : i32
    return %c0_i32, %arg0 : i32, i32
  }
  func.func @transform_2(%arg0: i32) -> (i32, i32) {
    %c0_i32 = arith.constant 0 : i32
    %c0_i32_0 = arith.constant 0 : i32
    return %c0_i32, %arg0 : i32, i32
  }
  func.func @transform_3(%arg0: i32) -> (i32, i32) {
    %c0_i32 = arith.constant 0 : i32
    %c0_i32_0 = arith.constant 0 : i32
    %c0_i32_1 = arith.constant 0 : i32
    return %c0_i32, %c0_i32_0 : i32, i32
  }
  func.func @transform_4(%arg0: i32) -> (i32, i32) {
    %c0_i32 = arith.constant 0 : i32
    %c0_i32_0 = arith.constant 0 : i32
    %c0_i32_1 = arith.constant 0 : i32
    return %c0_i32, %c0_i32_0 : i32, i32
  }
  func.func @transform_5(%arg0: i32) -> (i32, i32) {
    %c0_i32 = arith.constant 0 : i32
    %c0_i32_0 = arith.constant 0 : i32
    %c0_i32_1 = arith.constant 0 : i32
    return %c0_i32, %c0_i32_0 : i32, i32
  }
  func.func @transform_6(%arg0: i32) -> (i32, i32) {
    %c0_i32 = arith.constant 0 : i32
    %c0_i32_0 = arith.constant 0 : i32
    return %c0_i32, %arg0 : i32, i32
  }
}

</mosaic_0001>

<sc_bundles>
// kernel: kernel.10.cloned.1.call-start
scs
__scs_entry_jumppad:
0x0: {  	(pc) =	sbr.rel $0x88, $3  }
0x1: {  	(tag) =	ssettag $0x0;
	lr =	simm.s32 $0x1  }
0x2: {  	[smem:$0x3F97] =	sst lr;
	_ =	strace $0xD0000000  }
0x3: {  	_ = 	snop  }
0x4: {  	_ = 	snop  }
0x5: {  	_ = 	snop  }
0x6: {  	_ = 	snop  }
0x7: {  	_ = 	snop  }
__scs_overlays_trampoline_lowered:
0x8: {  	[smem:$0x3FA6] =	sst s0  }
0x9: {  	[smem:$0x3FA7] =	sst s1  }
0xa: {  	[smem:$0x3FA8] =	sst s2  }
0xb: {  	[smem:$0x3FA9] =	sst s3  }
0xc: {  	[smem:$0x3FAA] =	sst s4  }
0xd: {  	[smem:$0x3FAB] =	sst s5  }
0xe: {  	[smem:$0x3FAC] =	sst s6  }
0xf: {  	[smem:$0x3FAD] =	sst s7  }
0x10: {  	[smem:$0x3FAE] =	sst s8  }
0x11: {  	[smem:$0x3FAF] =	sst s9;
	s0 =	simm.s32 @!p0 $0x0  }
0x12: {  	s1 =	sld [smem:$0x3F95];
	s0 =	simm.s32 @p0 $0x1  }
0x13: {  	[smem:$0x3FB0] =	sst s0;
	s0 =	simm.s32 @!p1 $0x0  }
0x14: {  	s2 =	sld [smem:$0x3F94];
	s0 =	simm.s32 @p1 $0x1  }
0x15: {  	[smem:$0x3FB1] =	sst s0;
	s0 =	simm.s32 @!p2 $0x0  }
0x16: {  	s3 =	sld [smem:$0x3FDB];
	s0 =	simm.s32 @p2 $0x1  }
0x17: {  	s4 =	simm.s32 $0x1BF5;
	[smem:$0x3FB3] =	sst s0  }
0x18: {  	s0 =	sld [smem:$0x3F96];
	_ =	swait.ge [sflag:s4], $0x0  }
0x19: {  	s7 =	sld [smem:$0x3F97]  }
0x1a: {  	s8 =	sadd.s32 $0xFFFFE003, lr  }
0x1b: {  	s9 =	sadd.s32 $0xFFFFFEF7, lr;
	s5 =	simm.s32 $0xFFFFFFFF;
	p2 =	slt.u32 s8, $0xFFFFF086  }
0x1c: {  	p1 =	slt.u32 s9, $0xF7A;
	s5 =	simm.s32 @!p2 $0x0  }
0x1d: {  	s5 =	simm.s32 @p1 $0x1;
	p0 =	seq.s32 s7, s2  }
0x1e: {  	s7 =	smul.u32 @!p0 $0xF7A, s2;
	p2 =	seq.s32 @!p0 s5, $0x0  }
0x1f: {  	s9 =	smul.u32 $0xF7A, s1;
	s8 =	simm.s32 @!p0 $0x1BF5;
	p2 =	por !p2, p0  }
0x20: {  	[sflag:s8] =	ssyncset.s32 @!p0 $0xFFFFF086;
	s6 =	sadd.s32 @!p0 s3, s7;
	s7 =	simm.s32 @!p0 $0x108  }
0x21: {  	s3 =	sadd.s32 s3, s9;
	s6 =	sadd.s32 @!p0 $0x88, s6;
	s7 =	simm.s32 @p2 $0x1082  }
0x22: {  	[simem:s7], [sflag:s8] =	dma.local @!p0 [hbm:s6], $0xF7A  }
0x23: {  	s9 =	sor.u32 $0xD0000000, s2;
	s6 =	simm.s32 $0x108;
	_ =	swait.ge @!p0 [sflag:s8], $0x0  }
0x24: {  	s3 =	sadd.s32 $0x88, s3;
	s6 =	simm.s32 @!p1 $0x1082;
	[sflag:s4] =	ssyncset.s32 $0xFFFFF086  }
0x25: {  	[simem:s6], [sflag:s4] =	dma.local [hbm:s3], $0xF7A  }
0x26: {  	[smem:$0x3F97] =	sst s1;
	(tag) =	ssettag s2;
	_ =	strace s9  }
0x27: {  	s1 =	sld [smem:$0x3FA7]  }
0x28: {  	s2 =	sld [smem:$0x3FA8]  }
0x29: {  	s4 =	sld [smem:$0x3FAA]  }
0x2a: {  	p0 =	seq.s32 s5, $0x0;
	s5 =	sld [smem:$0x3FAB]  }
0x2b: {  	s6 =	sld [smem:$0x3FAC]  }
0x2c: {  	s7 =	sld [smem:$0x3FAD]  }
0x2d: {  	s3 =	simm.s32 $0x108;
	s8 =	sld [smem:$0x3FAE]  }
0x2e: {  	s3 =	simm.s32 @!p0 $0x1082;
	s9 =	sld [smem:$0x3FAF]  }
0x2f: {  	lr =	sadd.s32 s0, s3;
	s0 =	sld [smem:$0x3FA6]  }
0x30: {  	s3 =	sld [smem:$0x3FA9]  }
0x31: {  	[smem:$0x3FB2] =	sst s10  }
0x32: {  	s10 =	sld [smem:$0x3FB0];
	_ =	sdelay $0x3  }
0x33: {  	p0 =	seq.s32 s10, $0x1;
	s10 =	sld [smem:$0x3FB2];
	_ =	sdelay $0x3  }
0x34: {  	[smem:$0x3FB2] =	sst s10  }
0x35: {  	s10 =	sld [smem:$0x3FB1];
	_ =	sdelay $0x3  }
0x36: {  	p1 =	seq.s32 s10, $0x1;
	s10 =	sld [smem:$0x3FB2];
	_ =	sdelay $0x3  }
0x37: {  	[smem:$0x3FB2] =	sst s10  }
0x38: {  	s10 =	sld [smem:$0x3FB3]  }
0x39: {  	_ = 	snop;
	(pc) =	sbr.ind lr, $3  }
0x3a: {  	_ = 	snop  }
0x3b: {  	_ = 	snop  }
0x3c: {  	p2 =	seq.s32 s10, $0x1;
	s10 =	sld [smem:$0x3FB2]  }
0x3d: {  	_ =	shalt  }
0x3e: {  	_ =	shalt  }
0x3f: {  	_ =	shalt  }
0x40: {  	_ =	shalt  }
0x41: {  	_ =	shalt  }
0x42: {  	_ =	shalt  }
0x43: {  	_ =	shalt  }
0x44: {  	_ =	shalt  }
0x45: {  	_ =	shalt  }
0x46: {  	_ =	shalt  }
0x47: {  	_ =	shalt  }
0x48: {  	_ =	shalt  }
0x49: {  	_ =	shalt  }
0x4a: {  	_ =	shalt  }
0x4b: {  	_ =	shalt  }
0x4c: {  	_ =	shalt  }
0x4d: {  	_ =	shalt  }
0x4e: {  	_ =	shalt  }
0x4f: {  	_ =	shalt  }
0x50: {  	_ =	shalt  }
0x51: {  	_ =	shalt  }
0x52: {  	_ =	shalt  }
0x53: {  	_ =	shalt  }
0x54: {  	_ =	shalt  }
0x55: {  	_ =	shalt  }
0x56: {  	_ =	shalt  }
0x57: {  	_ =	shalt  }
0x58: {  	_ =	shalt  }
0x59: {  	_ =	shalt  }
0x5a: {  	_ =	shalt  }
0x5b: {  	_ =	shalt  }
0x5c: {  	_ =	shalt  }
0x5d: {  	_ =	shalt  }
0x5e: {  	_ =	shalt  }
0x5f: {  	_ =	shalt  }
0x60: {  	_ =	shalt  }
0x61: {  	_ =	shalt  }
0x62: {  	_ =	shalt  }
0x63: {  	_ =	shalt  }
0x64: {  	_ =	shalt  }
0x65: {  	_ =	shalt  }
0x66: {  	_ =	shalt  }
0x67: {  	_ =	shalt  }
0x68: {  	_ =	shalt  }
0x69: {  	_ =	shalt  }
0x6a: {  	_ =	shalt  }
0x6b: {  	_ =	shalt  }
0x6c: {  	_ =	shalt  }
0x6d: {  	_ =	shalt  }
0x6e: {  	_ =	shalt  }
0x6f: {  	_ =	shalt  }
0x70: {  	_ =	shalt  }
0x71: {  	_ =	shalt  }
0x72: {  	_ =	shalt  }
0x73: {  	_ =	shalt  }
0x74: {  	_ =	shalt  }
0x75: {  	_ =	shalt  }
0x76: {  	_ =	shalt  }
0x77: {  	_ =	shalt  }
0x78: {  	_ =	shalt  }
0x79: {  	_ =	shalt  }
0x7a: {  	_ =	shalt  }
0x7b: {  	_ =	shalt  }
0x7c: {  	_ =	shalt  }
0x7d: {  	_ =	shalt  }
0x7e: {  	_ =	shalt  }
0x7f: {  	_ =	shalt  }
0x80: {  	_ =	shalt  }
0x81: {  	_ =	shalt  }
0x82: {  	_ =	shalt  }
0x83: {  	_ =	shalt  }
0x84: {  	_ =	shalt  }
0x85: {  	_ =	shalt  }
0x86: {  	_ =	shalt  }
0x87: {  	_ =	shalt  }
.Lfunc_end0:
.L_simem_size_0:
called_computation.1_lowered:
.L_overlay_start_0:
0x88: {  	s2 =	sld [smem:$0x3FD9]  }
0x89: {  	s3 =	sld [smem:$0x3FFE];
	_ =	sdelay $0x1  }
0x8a: {  	s1 =	srdreg.scid  }
0x8b: {  	s0 =	sand.u32 $0x1, s1  }
0x8c: {  	s16 =	sshll.u32 s0, $0xA;
	s2 =	sadd.s32 s3, s2  }
0x8d: {  	s2 =	sadd.s32 s2, s16  }
0x8e: {  	[smem:$0x3FBE] =	sst s2  }
0x8f: {  	_ = 	snop  }
0x90: {  	(tm) =	ssettm $0x1  }
0x91: {  	s17 =	sld [smem:$0x3FFB];
	_ =	sdelay $0x3  }
0x92: {  	_ =	strace s17  }
0x93: {  	s2 =	sld [smem:$0x3FFC];
	_ =	sdelay $0x3  }
0x94: {  	_ =	strace s2  }
0x95: {  	s2 =	sld [smem:$0x3FFD];
	_ =	sdelay $0x3  }
0x96: {  	_ =	strace s2  }
0x97: {  	_ =	strace $0x8FFFFFFF  }
0x98: {  	s18 =	sld [smem:$0x3FDB];
	_ =	sdelay $0x1  }
0x99: {  	s19 =	simm.s32 $_scs_section_size  }
0x9a: {  	s4 =	simm.s32 $_size__tile_overlayer_lowered;
	s5 =	simm.s32 $_tile_overlayer_lowered  }
0x9b: {  	s22 =	simm.s32 $0x1BFF;
	s21 =	sshll.u32 s5, $0x1;
	s2 =	sadd.s32 s19, s18  }
0x9c: {  	s6 =	simm.s32 $0x0;
	s20 =	sshll.u32 s4, $0x1;
	s4 =	sadd.s32 s21, s2  }
0x9d: {  	[timem:s6], [sflag:s22] =	dma.local [hbm:s4], s20  }
0x9e: {  	_ =	swait.ge [sflag:s22], s20  }
0x9f: {  	s3 =	ssub.s32 $0x0, s20;
	[sflag:s22] =	ssyncset.done $0x0  }
0xa0: {  	[sflag:s22] =	ssyncadd.s32 s3;
	_ =	sdelay $0x1  }
0xa1: {  	s23 =	simm.s32 $0x1B8B  }
0xa2: {  	_ =	swait.ge [sflag:s23], $0x1  }
0xa3: {  	[sflag:s23] =	ssyncset.done $0x0  }
0xa4: {  	s25 =	simm.s32 $0x1B8E;
	s24 =	sld [smem:$0x3FFE];
	[sflag:s23] =	ssyncadd.s32 $0xFFFFFFFF  }
0xa5: {  	s26 =	simm.s32 $execute0_lowered;
	[smem:$0x3FD2] =	sst s25  }
0xa6: {  	s4 =	sshll.u32 s26, $0x1;
	_ =	strace $0x80000049;
	[dreg:$0x1] =	wrdreg $0xFFFFFFFF  }
0xa7: {  	s28 =	simm.s32 $_size_execute0_lowered;
	s2 =	sadd.s32 s2, s4;
	[dreg:$0x0] =	wrdreg $0x0  }
0xa8: {  	s4 =	sshll.u32 s28, $0x1;
	[dreg:$0x2] =	wrdreg s2  }
0xa9: {  	[dreg:$0x3] =	wrdreg s4  }
0xaa: {  	[dreg:$0x4] =	wrdreg $0xC0  }
0xab: {  	_ =	task [dreg:s6], $0x5FFFF  }
0xac: {  	[dreg:$0x1] =	wrdreg $0xFFFFFFFF  }
0xad: {  	[dreg:$0x0] =	wrdreg $0x60  }
0xae: {  	[dreg:$0x2] =	wrdreg s24  }
0xaf: {  	[dreg:$0x3] =	wrdreg $0x9  }
0xb0: {  	_ =	task.clear_ibuf [dreg:s6], $0x4FFFF;
	_ =	strace $0x90000049  }
0xb1: {  	s29 =	simm.s32 $0x9;
	_ =	strace $0x8000004B  }
0xb2: {  	_ =	swait.ge [sflag:s29], $0x1  }
0xb3: {  	[sflag:s29] =	ssyncadd.s32 $0xFFFFFFFF  }
0xb4: {  	_ =	strace $0x9000004B  }
0xb5: {  	_ =	sfence  }
0xb6: {  	s30 =	sld [smem:$0x0];
	_ =	sdelay $0x2  }
0xb7: {  	s31 =	sshll.u32 s1, $0xD;
	s1 =	sshrl.u32 s1, $0x2  }
0xb8: {  	s3 =	sand.u32 $0x4000, s31;
	s1 =	sadd.s32 s1, s30  }
0xb9: {  	s0 =	sor.u32 s3, s0;
	s1 =	sshll.u32 s1, $0x11  }
0xba: {  	s0 =	sor.u32 s1, s0  }
0xbb: {  	s0 =	sadd.s32 $0x8F2B, s0  }
0xbc: {  	[sflag:s0] =	ssyncadd.remote.s32 $0x1  }
0xbd: {  	_ =	sfence.sel $0xFFFF  }
0xbe: {  	[dreg:$0x0] =	wrdreg $0xFFFFFFFF;
	(pc) =	sbr.abs _section_cstart, $3  }
0xbf: {  	[dreg:$0x1] =	wrdreg $0xFFFFFFFF  }
0xc0: {  	_ =	task.clear_ibuf [dreg:s6], $0x2FFFF;
	_ =	strace $0x9FFFFFFF  }
0xc1: {  	(tm) =	ssettm $0x7FFFFFFF  }
tec
execute0_lowered:
.L_overlay_start_1:
0x0: {  	(tag) =	ssettag $0x1  }
0x1: {  	s1 =	srdreg.scid  }
0x2: {  	s0 =	stileid.u32;
	s6 =	rddreg [dreg:$0x0]  }
0x3: {  	s2 =	simm.s32 $0x0;
	s11 =	simm.s32 $0xA000;
	s12 =	simm.s32 $0x200  }
0x4: {  	s13 =	simm.s32 $0x400;
	s5 =	sand.u32 $0x1, s1;
	s7 =	smul.u32 $0x1400, s0  }
0x5: {  	s14 =	simm.s32 $0x4;
	s4 =	sshrl.u32 s0, $0x1;
	s3 =	smul.u32 $0xA0000, s5  }
0x6: {  	s15 =	simm.s32 $0x0;
	[smem:$0x7FF] =	sst s2;
	s4 =	smul.u32 $0x14000, s4  }
0x7: {  	s1 =	rddreg [dreg:$0x1];
	s8 =	sshll.u32 s0, $0x9;
	_ =	strace $0x8000004A  }
0x8: {  	s30 =	sand.u32 $0x200, s8;
	s7 =	sadd.s32 s7, s6;
	s3 =	sadd.s32 s3, s4  }
0x9: {  	s8 =	sor.u32 s30, s3;
	s3 =	smul.u32 $0x27100, s5;
	s5 =	ssub.s32 $0x2, s5  }
0xa: {  	s4 =	sadd.s32 $0x16200, s6;
	s8 =	sshrl.u32 s8, $0x3;
	s31 =	sshrl.u32 s5, $0x1  }
0xb: {  	s8 =	sadd.s32 s8, s6;
	s9 =	sshrl.u32 s3, $0x3;
	s10 =	ssub.s32 s5, s31  }
0xc: {  	s5 =	sadd.s32 $0x2200, s7;
	s6 =	sadd.s32 s4, s9;
	s8 =	sadd.s32 $0x29C00, s8  }
0xd: {  	v0 =	vimm.f32 $0.0e+00;
	s9 =	smax.u32 s10, $0x1;
	s10 =	simm.s32 $0x3;
	s7 =	sadd.s32 $0x9C40, s6  }
.LBB2_1:
0xe: {  	[tilespmem:s2], [sflag:$0x3] =	stream.linear.gather [hbm4b:s5+s2], $0xA000, $0x38;
	[tilespmem:$0x1A400] =	vst v63  }
0xf: {  	s16 =	simm.s32 $0x14000  }
0x10: {  	s17 =	simm.s32 $0x10;
	s19 =	sadd.s32 $0x0, s6;
	s18 =	simm.s32 $0x14100  }
.LBB2_2:
0x11: {  	[tilespmem:s16], [sflag:$0x1] =	stream.linear.gather [hbm4b:s19+s2], $0x80, $0x38;
	[tilespmem:$0x1A400] =	vst v63  }
0x12: {  	s19 =	smov.u32 s17;
	s16 =	smov.u32 s18;
	p0 =	sne.s32 s17, $0x310  }
.Ltmp0:
0x13: {  	s17 =	sadd.s32 $0x10, s17;
	(pc) =	sbr.rel @p0 .LBB2_2-.Ltmp0, $2  }
0x14: {  	_ =	sdelay $0x2  }
0x15: {  	s18 =	sadd.s32 $0x100, s18;
	s19 =	sadd.s32 s19, s6  }
0x16: {  	[tilespmem:s16], [sflag:$0x1] =	stream.linear.gather [hbm4b:s19+s2], $0x80, $0x38;
	[tilespmem:$0x1A400] =	vst v63  }
0x17: {  	s16 =	simm.s32 $0x0;
	s17 =	simm.s32 $0x17200  }
.LBB2_4:
0x18: {  	p0 =	sne.s32 s16, $0x310  }
.Ltmp1:
0x19: {  	_ = 	snop;
	(pc) =	sbr.rel @p0 .LBB2_4-.Ltmp1, $4  }
0x1a: {  	_ = 	snop  }
0x1b: {  	s18 =	sadd.s32 s16, s7  }
0x1c: {  	[tilespmem:s17], [sflag:$0x1] =	stream.linear.gather [hbm4b:s18+s2], $0x80, $0x38;
	[tilespmem:$0x1A400] =	vst v63  }
0x1d: {  	s16 =	sadd.s32 $0x10, s16;
	s17 =	sadd.s32 $0x100, s17  }
0x1e: {  	s16 =	simm.s32 $0xA100  }
0x1f: {  	[tilespmem:s16+$0xFFFFFF00] =	vst v0  }
0x20: {  	[tilespmem:s16+$0xF0] =	vst v0  }
0x21: {  	[tilespmem:s16+$0x70] =	vst v0  }
0x22: {  	[tilespmem:s16+$0xFFFFFFF0] =	vst v0  }
0x23: {  	[tilespmem:s16+$0xFFFFFF70] =	vst v0  }
0x24: {  	[tilespmem:s16+$0xE0] =	vst v0  }
0x25: {  	[tilespmem:s16+$0x60] =	vst v0  }
0x26: {  	[tilespmem:s16+$0xFFFFFFE0] =	vst v0  }
0x27: {  	[tilespmem:s16+$0xFFFFFF60] =	vst v0  }
0x28: {  	[tilespmem:s16+$0xD0] =	vst v0  }
0x29: {  	[tilespmem:s16+$0x50] =	vst v0  }
0x2a: {  	[tilespmem:s16+$0xFFFFFFD0] =	vst v0  }
0x2b: {  	[tilespmem:s16+$0xFFFFFF50] =	vst v0  }
0x2c: {  	[tilespmem:s16+$0xC0] =	vst v0  }
0x2d: {  	[tilespmem:s16+$0x40] =	vst v0  }
0x2e: {  	[tilespmem:s16+$0xFFFFFFC0] =	vst v0  }
0x2f: {  	[tilespmem:s16+$0xFFFFFF40] =	vst v0  }
0x30: {  	[tilespmem:s16+$0xB0] =	vst v0  }
0x31: {  	[tilespmem:s16+$0x30] =	vst v0  }
0x32: {  	[tilespmem:s16+$0xFFFFFFB0] =	vst v0  }
0x33: {  	[tilespmem:s16+$0xFFFFFF30] =	vst v0  }
0x34: {  	[tilespmem:s16+$0xA0] =	vst v0  }
0x35: {  	[tilespmem:s16+$0x20] =	vst v0  }
0x36: {  	[tilespmem:s16+$0xFFFFFFA0] =	vst v0  }
0x37: {  	[tilespmem:s16+$0xFFFFFF20] =	vst v0  }
0x38: {  	[tilespmem:s16+$0x90] =	vst v0  }
0x39: {  	[tilespmem:s16+$0x10] =	vst v0  }
0x3a: {  	[tilespmem:s16+$0xFFFFFF90] =	vst v0  }
0x3b: {  	[tilespmem:s16+$0xFFFFFF10] =	vst v0  }
0x3c: {  	[tilespmem:s16+$0x80] =	vst v0  }
0x3d: {  	s17 =	simm.s32 $0x0;
	[tilespmem:s16+$0x0] =	vst v0  }
.LBB2_6:
0x3e: {  	s17 =	sadd.s32 $0x8, s17;
	[tilespmem:s16+$0xFFFFFF80] =	vst v0;
	s16 =	sadd.s32 $0x200, s16  }
0x3f: {  	[tilespmem:s16+$0xFFFFFF00] =	vst v0;
	p0 =	slt.u32 s17, $0x278  }
0x40: {  	[tilespmem:s16+$0xF0] =	vst v0  }
0x41: {  	[tilespmem:s16+$0x70] =	vst v0  }
0x42: {  	[tilespmem:s16+$0xFFFFFFF0] =	vst v0  }
0x43: {  	[tilespmem:s16+$0xFFFFFF70] =	vst v0  }
0x44: {  	[tilespmem:s16+$0xE0] =	vst v0  }
0x45: {  	[tilespmem:s16+$0x60] =	vst v0  }
0x46: {  	[tilespmem:s16+$0xFFFFFFE0] =	vst v0  }
0x47: {  	[tilespmem:s16+$0xFFFFFF60] =	vst v0  }
0x48: {  	[tilespmem:s16+$0xD0] =	vst v0  }
0x49: {  	[tilespmem:s16+$0x50] =	vst v0  }
0x4a: {  	[tilespmem:s16+$0xFFFFFFD0] =	vst v0  }
0x4b: {  	[tilespmem:s16+$0xFFFFFF50] =	vst v0  }
0x4c: {  	[tilespmem:s16+$0xC0] =	vst v0  }
0x4d: {  	[tilespmem:s16+$0x40] =	vst v0  }
0x4e: {  	[tilespmem:s16+$0xFFFFFFC0] =	vst v0  }
0x4f: {  	[tilespmem:s16+$0xFFFFFF40] =	vst v0  }
0x50: {  	[tilespmem:s16+$0xB0] =	vst v0  }
0x51: {  	[tilespmem:s16+$0x30] =	vst v0  }
0x52: {  	[tilespmem:s16+$0xFFFFFFB0] =	vst v0  }
0x53: {  	[tilespmem:s16+$0xFFFFFF30] =	vst v0  }
0x54: {  	[tilespmem:s16+$0xA0] =	vst v0  }
0x55: {  	[tilespmem:s16+$0x20] =	vst v0  }
0x56: {  	[tilespmem:s16+$0xFFFFFFA0] =	vst v0  }
0x57: {  	[tilespmem:s16+$0xFFFFFF20] =	vst v0  }
0x58: {  	[tilespmem:s16+$0x90] =	vst v0  }
.Ltmp2:
0x59: {  	[tilespmem:s16+$0x10] =	vst v0;
	(pc) =	sbr.rel @p0 .LBB2_6-.Ltmp2, $4  }
0x5a: {  	[tilespmem:s16+$0xFFFFFF90] =	vst v0  }
0x5b: {  	[tilespmem:s16+$0xFFFFFF10] =	vst v0  }
0x5c: {  	[tilespmem:s16+$0x80] =	vst v0  }
0x5d: {  	[tilespmem:s16+$0x0] =	vst v0  }
0x5e: {  	[tilespmem:s16+$0xFFFFFF80] =	vst v0  }
0x5f: {  	_ =	swait.ge [sflag:s10], $0xA000  }
0x60: {  	s16 =	simm.s32 $0x0;
	[sflag:s10] =	ssyncset.done $0x0  }
0x61: {  	p0 =	por $0x1, $0x1;
	p1 =	por $0x0, $0x0;
	[sflag:s10] =	ssyncadd.s32 $0xFFFF6000  }
.LBB2_9:
0x62: {  	s17 =	sand.u32 $0x1, s16  }
0x63: {  	s17 =	sadd.s32 $0x1, s17  }
0x64: {  	p2 =	seq.s32 s16, $0x18;
	_ =	swait.ge [sflag:s17], $0x1900  }
.Ltmp3:
0x65: {  	[sflag:s17] =	ssyncset.done $0x0;
	(pc) =	sbr.rel @p2 .LBB2_15-.Ltmp3, $4  }
0x66: {  	[sflag:s17] =	ssyncadd.s32 $0xFFFFE700  }
0x67: {  	_ =	swait.ge [sflag:s17], $0x1900  }
0x68: {  	[sflag:s17] =	ssyncset.done $0x0  }
0x69: {  	s16 =	sadd.s32 $0x1, s16;
	[sflag:s17] =	ssyncadd.s32 $0xFFFFE700  }
0x6a: {  	s17 =	simm.s32 $0x1;
	s18 =	smul.u32 $0x1900, s16  }
0x6b: {  	s17 =	simm.s32 @!p0 $0x0  }
0x6c: {  	s19 =	sshll.u32 s17, $0x7;
	s18 =	sadd.s32 s3, s18  }
0x6d: {  	s21 =	sand.u32 $0x1, s16;
	s17 =	sor.u32 $0x17200, s19;
	s22 =	sshrl.u32 s18, $0x3  }
0x6e: {  	s20 =	sor.u32 $0x14000, s19;
	s18 =	sadd.s32 $0x1, s21;
	s19 =	sadd.s32 s4, s22  }
0x6f: {  	s21 =	simm.s32 $0x10;
	s22 =	sadd.s32 $0x100, s20;
	s23 =	sadd.s32 $0x0, s19  }
.LBB2_11:
0x70: {  	[tilespmem:s20], [sflag:s18] =	stream.linear.gather [hbm4b:s23+s2], $0x80, $0x38;
	[tilespmem:$0x1A400] =	vst v63  }
0x71: {  	s23 =	smov.u32 s21;
	s20 =	smov.u32 s22;
	p2 =	sne.s32 s21, $0x310  }
.Ltmp4:
0x72: {  	s21 =	sadd.s32 $0x10, s21;
	(pc) =	sbr.rel @p2 .LBB2_11-.Ltmp4, $2  }
0x73: {  	_ =	sdelay $0x2  }
0x74: {  	s22 =	sadd.s32 $0x100, s22;
	s23 =	sadd.s32 s23, s19  }
0x75: {  	[tilespmem:s20], [sflag:s18] =	stream.linear.gather [hbm4b:s23+s2], $0x80, $0x38;
	[tilespmem:$0x1A400] =	vst v63  }
0x76: {  	s19 =	sadd.s32 $0x9C40, s19  }
0x77: {  	s20 =	simm.s32 $0x10;
	s21 =	sadd.s32 $0x100, s17;
	s22 =	sadd.s32 $0x0, s19  }
.LBB2_13:
0x78: {  	[tilespmem:s17], [sflag:s18] =	stream.linear.gather [hbm4b:s22+s2], $0x80, $0x38;
	[tilespmem:$0x1A400] =	vst v63  }
0x79: {  	s22 =	smov.u32 s20;
	s17 =	smov.u32 s21;
	p2 =	sne.s32 s20, $0x310  }
.Ltmp5:
0x7a: {  	s20 =	sadd.s32 $0x10, s20;
	(pc) =	sbr.rel @p2 .LBB2_13-.Ltmp5, $2  }
0x7b: {  	_ =	sdelay $0x2  }
0x7c: {  	s21 =	sadd.s32 $0x100, s21;
	s22 =	sadd.s32 s22, s19  }
0x7d: {  	[tilespmem:s17], [sflag:s18] =	stream.linear.gather [hbm4b:s22+s2], $0x80, $0x38;
	[tilespmem:$0x1A400] =	vst v63  }
.LBB2_15:
0x7e: {  	s17 =	simm.s32 $0x1  }
0x7f: {  	s17 =	simm.s32 @!p1 $0x0  }
0x80: {  	s17 =	sshll.u32 s17, $0x7  }
0x81: {  	s19 =	sor.u32 $0x14040, s17  }
0x82: {  	v5 =	vld [tilespmem:s19+$0x30]  }
0x83: {  	s17 =	sor.u32 $0x17240, s17;
	v6 =	vld [tilespmem:s19+$0xFFFFFFD0]  }
0x84: {  	v7 =	vld [tilespmem:s17+$0x30]  }
0x85: {  	v8 =	vld [tilespmem:s19+$0xFFFFFFE0]  }
0x86: {  	v4 =	vld [tilespmem:s19+$0xFFFFFFF0]  }
0x87: {  	v3 =	vld [tilespmem:s19+$0x0]  }
0x88: {  	v2 =	vld [tilespmem:s19+$0x10]  }
0x89: {  	v1 =	vld [tilespmem:s19+$0x20]  }
0x8a: {  	v11 =	vld [tilespmem:s19+$0xFFFFFFC0]  }
0x8b: {  	v53 =	vld [tilespmem:s17+$0xFFFFFFC0]  }
0x8c: {  	v13 =	vld [tilespmem:s17+$0xFFFFFFD0]  }
0x8d: {  	v14 =	vld [tilespmem:s17+$0xFFFFFFE0]  }
0x8e: {  	v15 =	vld [tilespmem:s17+$0xFFFFFFF0]  }
0x8f: {  	v54 =	vld [tilespmem:s17+$0x0]  }
0x90: {  	v17 =	vld [tilespmem:s17+$0x10]  }
0x91: {  	v19 =	vld [tilespmem:s17+$0x20]  }
0x92: {  	v10 =	vld.idx.msk [tilespmem:v5+s2+$0x0], $0xffff  }
0x93: {  	v9 =	vshll.u32 v7, $0x2;
	v7 =	vand.u32 $0x7F, v7;
	v12 =	vadd.s32 $0x2800, v5;
	v20 =	vld.idx.msk [tilespmem:v11+s2+$0x0], $0xffff  }
0x94: {  	v24 =	vshll.u32 v14, $0x2;
	v26 =	vshll.u32 v15, $0x2;
	v9 =	vand.u32 $0xFFFFFE00, v9;
	v21 =	vld.idx.msk [tilespmem:v6+s2+$0x0], $0xffff  }
0x95: {  	v14 =	vand.u32 $0x7F, v14;
	v24 =	vand.u32 $0xFFFFFE00, v24;
	v7 =	vor.u32 v7, v9;
	v22 =	vld.idx.msk [tilespmem:v8+s2+$0x0], $0xffff  }
0x96: {  	v15 =	vand.u32 $0x7F, v15;
	v60 =	vand.u32 $0x7F, v17;
	v14 =	vor.u32 v14, v24;
	v25 =	vld.idx.msk [tilespmem:v4+s2+$0x0], $0xffff  }
0x97: {  	v17 =	vshll.u32 v17, $0x2;
	v61 =	vshll.u32 v19, $0x2;
	v26 =	vand.u32 $0xFFFFFE00, v26;
	v57 =	vld.idx.msk [tilespmem:v3+s2+$0x0], $0xffff  }
0x98: {  	v19 =	vand.u32 $0x7F, v19;
	v17 =	vand.u32 $0xFFFFFE00, v17;
	v15 =	vor.u32 v15, v26;
	v58 =	vld.idx.msk [tilespmem:v2+s2+$0x0], $0xffff  }
0x99: {  	v62 =	vand.u32 $0xFFFFFE00, v61;
	v9 =	vshll.u32 v53, $0x2;
	v17 =	vor.u32 v60, v17;
	v27 =	vld.idx.msk [tilespmem:v1+s2+$0x0], $0xffff  }
0x9a: {  	v55 =	vand.u32 $0x7F, v53;
	v63 =	vor.u32 v19, v62;
	v9 =	vand.u32 $0xFFFFFE00, v9;
	[tilespmem:v7+s11+$0x0] =	vst.idx.add.f32.msk $0xffff, v10  }
0x9b: {  	v9 =	vor.u32 v55, v9;
	[tilespmem:v14+s11+$0x0] =	vst.idx.add.f32.msk $0xffff, v22  }
0x9c: {  	v16 =	vor.u32 $0x80, v7;
	v10 =	vld.idx.msk [tilespmem:v12+s2+$0x0], $0xffff  }
0x9d: {  	v59 =	vshll.u32 v54, $0x2;
	v28 =	vadd.s32 $0x2800, v8;
	[tilespmem:v15+s11+$0x0] =	vst.idx.add.f32.msk $0xffff, v25  }
0x9e: {  	v18 =	vadd.s32 $0x5000, v5;
	v24 =	vand.u32 $0xFFFFFE00, v59;
	[tilespmem:v17+s11+$0x0] =	vst.idx.add.f32.msk $0xffff, v58;
	v12 =	vand.u32 $0x7F, v54  }
0x9f: {  	[tilespmem:v63+s11+$0x0] =	vst.idx.add.f32.msk $0xffff, v27;
	v12 =	vor.u32 v12, v24  }
0xa0: {  	[tilespmem:v9+s11+$0x0] =	vst.idx.add.f32.msk $0xffff, v20;
	v24 =	vadd.s32 $0x2800, v11  }
0xa1: {  	v31 =	vadd.s32 $0x2800, v2;
	[tilespmem:v16+s11+$0x0] =	vst.idx.add.f32.msk $0xffff, v10  }
0xa2: {  	v56 =	vshll.u32 v13, $0x2;
	v35 =	vor.u32 $0x80, v14;
	v10 =	vld.idx.msk [tilespmem:v28+s2+$0x0], $0xffff  }
0xa3: {  	v13 =	vand.u32 $0x7F, v13;
	v23 =	vor.u32 $0x100, v7;
	v16 =	vand.u32 $0xFFFFFE00, v56;
	v18 =	vld.idx.msk [tilespmem:v18+s2+$0x0], $0xffff  }
0xa4: {  	v13 =	vor.u32 v13, v16;
	[tilespmem:v12+s11+$0x0] =	vst.idx.add.f32.msk $0xffff, v57  }
0xa5: {  	v32 =	vadd.s32 $0x2800, v1;
	v19 =	vld.idx.msk [tilespmem:v24+s2+$0x0], $0xffff  }
0xa6: {  	v33 =	vor.u32 $0x80, v9;
	v16 =	vld.idx.msk [tilespmem:v31+s2+$0x0], $0xffff  }
0xa7: {  	v5 =	vadd.s32 $0x7800, v5;
	[tilespmem:v35+s11+$0x0] =	vst.idx.add.f32.msk $0xffff, v10  }
0xa8: {  	v38 =	vor.u32 $0x80, v17;
	[tilespmem:v23+s11+$0x0] =	vst.idx.add.f32.msk $0xffff, v18  }
0xa9: {  	v26 =	vadd.s32 $0x2800, v6;
	[tilespmem:v13+s11+$0x0] =	vst.idx.add.f32.msk $0xffff, v21  }
0xaa: {  	v45 =	vadd.s32 $0x5000, v2;
	v21 =	vld.idx.msk [tilespmem:v32+s2+$0x0], $0xffff  }
0xab: {  	v39 =	vor.u32 $0x80, v63;
	[tilespmem:v33+s11+$0x0] =	vst.idx.add.f32.msk $0xffff, v19  }
0xac: {  	v7 =	vor.u32 $0x180, v7;
	v5 =	vld.idx.msk [tilespmem:v5+s2+$0x0], $0xffff  }
0xad: {  	v29 =	vadd.s32 $0x2800, v4;
	[tilespmem:v38+s11+$0x0] =	vst.idx.add.f32.msk $0xffff, v16  }
0xae: {  	v30 =	vadd.s32 $0x2800, v3;
	v20 =	vld.idx.msk [tilespmem:v26+s2+$0x0], $0xffff  }
0xaf: {  	v34 =	vor.u32 $0x80, v13;
	v19 =	vld.idx.msk [tilespmem:v45+s2+$0x0], $0xffff  }
0xb0: {  	v40 =	vadd.s32 $0x5000, v11;
	[tilespmem:v39+s11+$0x0] =	vst.idx.add.f32.msk $0xffff, v21  }
0xb1: {  	v46 =	vadd.s32 $0x5000, v1;
	[tilespmem:v7+s11+$0x0] =	vst.idx.add.f32.msk $0xffff, v5  }
0xb2: {  	v52 =	vor.u32 $0x100, v17;
	v5 =	vld.idx.msk [tilespmem:v29+s2+$0x0], $0xffff  }
0xb3: {  	v41 =	vadd.s32 $0x5000, v6;
	v7 =	vld.idx.msk [tilespmem:v30+s2+$0x0], $0xffff  }
0xb4: {  	v2 =	vadd.s32 $0x7800, v2;
	[tilespmem:v34+s11+$0x0] =	vst.idx.add.f32.msk $0xffff, v20  }
0xb5: {  	v36 =	vor.u32 $0x80, v15;
	v20 =	vld.idx.msk [tilespmem:v40+s2+$0x0], $0xffff  }
0xb6: {  	v37 =	vor.u32 $0x80, v12;
	v21 =	vld.idx.msk [tilespmem:v46+s2+$0x0], $0xffff  }
0xb7: {  	v42 =	vadd.s32 $0x5000, v8;
	[tilespmem:v52+s11+$0x0] =	vst.idx.add.f32.msk $0xffff, v19  }
0xb8: {  	v47 =	vor.u32 $0x100, v9;
	v10 =	vld.idx.msk [tilespmem:v41+s2+$0x0], $0xffff  }
0xb9: {  	v53 =	vor.u32 $0x100, v63;
	v2 =	vld.idx.msk [tilespmem:v2+s2+$0x0], $0xffff  }
0xba: {  	v43 =	vadd.s32 $0x5000, v4;
	[tilespmem:v36+s11+$0x0] =	vst.idx.add.f32.msk $0xffff, v5  }
0xbb: {  	v44 =	vadd.s32 $0x5000, v3;
	[tilespmem:v37+s11+$0x0] =	vst.idx.add.f32.msk $0xffff, v7  }
0xbc: {  	v48 =	vor.u32 $0x100, v13;
	v5 =	vld.idx.msk [tilespmem:v42+s2+$0x0], $0xffff  }
0xbd: {  	v54 =	vadd.s32 $0x7800, v11;
	[tilespmem:v47+s11+$0x0] =	vst.idx.add.f32.msk $0xffff, v20  }
0xbe: {  	v1 =	vadd.s32 $0x7800, v1;
	[tilespmem:v53+s11+$0x0] =	vst.idx.add.f32.msk $0xffff, v21  }
0xbf: {  	v62 =	vor.u32 $0x180, v17;
	v7 =	vld.idx.msk [tilespmem:v43+s2+$0x0], $0xffff  }
0xc0: {  	v49 =	vor.u32 $0x100, v14;
	v16 =	vld.idx.msk [tilespmem:v44+s2+$0x0], $0xffff  }
0xc1: {  	v55 =	vadd.s32 $0x7800, v6;
	[tilespmem:v48+s11+$0x0] =	vst.idx.add.f32.msk $0xffff, v10  }
0xc2: {  	v50 =	vor.u32 $0x100, v15;
	v57 =	vld.idx.msk [tilespmem:v54+s2+$0x0], $0xffff  }
0xc3: {  	v51 =	vor.u32 $0x100, v12;
	v1 =	vld.idx.msk [tilespmem:v1+s2+$0x0], $0xffff  }
0xc4: {  	v56 =	vadd.s32 $0x7800, v8;
	[tilespmem:v62+s11+$0x0] =	vst.idx.add.f32.msk $0xffff, v2  }
0xc5: {  	v58 =	vor.u32 $0x180, v9;
	[tilespmem:v49+s11+$0x0] =	vst.idx.add.f32.msk $0xffff, v5  }
0xc6: {  	v4 =	vadd.s32 $0x7800, v4;
	v5 =	vld.idx.msk [tilespmem:v55+s2+$0x0], $0xffff  }
0xc7: {  	v3 =	vadd.s32 $0x7800, v3;
	[tilespmem:v50+s11+$0x0] =	vst.idx.add.f32.msk $0xffff, v7  }
0xc8: {  	v63 =	vor.u32 $0x180, v63;
	[tilespmem:v51+s11+$0x0] =	vst.idx.add.f32.msk $0xffff, v16  }
0xc9: {  	v59 =	vor.u32 $0x180, v13;
	v6 =	vld.idx.msk [tilespmem:v56+s2+$0x0], $0xffff  }
0xca: {  	v60 =	vor.u32 $0x180, v14;
	[tilespmem:v58+s11+$0x0] =	vst.idx.add.f32.msk $0xffff, v57  }
0xcb: {  	v61 =	vor.u32 $0x180, v15;
	v4 =	vld.idx.msk [tilespmem:v4+s2+$0x0], $0xffff  }
0xcc: {  	v12 =	vor.u32 $0x180, v12;
	v3 =	vld.idx.msk [tilespmem:v3+s2+$0x0], $0xffff  }
0xcd: {  	[tilespmem:v63+s11+$0x0] =	vst.idx.add.f32.msk $0xffff, v1  }
0xce: {  	[tilespmem:v59+s11+$0x0] =	vst.idx.add.f32.msk $0xffff, v5  }
0xcf: {  	[tilespmem:v60+s11+$0x0] =	vst.idx.add.f32.msk $0xffff, v6  }
0xd0: {  	[tilespmem:v61+s11+$0x0] =	vst.idx.add.f32.msk $0xffff, v4  }
0xd1: {  	s18 =	simm.s32 $0x0;
	s19 =	sadd.s32 $0x100, s19;
	[tilespmem:v12+s11+$0x0] =	vst.idx.add.f32.msk $0xffff, v3  }
.LBB2_16:
0xd2: {  	v20 =	vld [tilespmem:s19+$0x30];
	s18 =	sadd.s32 $0x8, s18  }
0xd3: {  	s17 =	sadd.s32 $0x100, s17;
	v21 =	vld [tilespmem:s19+$0xFFFFFFD0];
	p2 =	slt.u32 s18, $0x188  }
0xd4: {  	v2 =	vld [tilespmem:s17+$0x30]  }
0xd5: {  	v22 =	vld [tilespmem:s19+$0xFFFFFFE0]  }
0xd6: {  	v23 =	vld [tilespmem:s19+$0xFFFFFFF0]  }
0xd7: {  	v24 =	vld [tilespmem:s19+$0x0]  }
0xd8: {  	v14 =	vadd.s32 $0x2800, v21;
	v4 =	vadd.s32 $0x5000, v21;
	v1 =	vadd.s32 $0x7800, v21;
	v25 =	vld [tilespmem:s19+$0x10]  }
0xd9: {  	v26 =	vld [tilespmem:s19+$0x20];
	v3 =	vshll.u32 v2, $0x2  }
0xda: {  	v2 =	vand.u32 $0x7F, v2;
	v15 =	vadd.s32 $0x2800, v22;
	v7 =	vld.idx.msk [tilespmem:v20+s2+$0x0], $0xffff;
	v3 =	vand.u32 $0xFFFFFE00, v3  }
0xdb: {  	v8 =	vadd.s32 $0x5000, v22;
	v27 =	vld [tilespmem:s19+$0xFFFFFFC0];
	v16 =	vadd.s32 $0x2800, v23;
	v28 =	vor.u32 v2, v3  }
0xdc: {  	v30 =	vadd.s32 $0x2800, v20;
	v10 =	vadd.s32 $0x5000, v23;
	v29 =	vld [tilespmem:s17+$0xFFFFFFC0];
	v18 =	vadd.s32 $0x2800, v24  }
0xdd: {  	v11 =	vadd.s32 $0x5000, v24;
	v31 =	vld [tilespmem:s17+$0xFFFFFFD0];
	v19 =	vadd.s32 $0x2800, v25;
	v12 =	vadd.s32 $0x5000, v25  }
0xde: {  	v2 =	vadd.s32 $0x7800, v22;
	v32 =	vld [tilespmem:s17+$0xFFFFFFE0];
	v33 =	vadd.s32 $0x2800, v26;
	v13 =	vadd.s32 $0x5000, v26  }
0xdf: {  	v6 =	vadd.s32 $0x7800, v23;
	v5 =	vadd.s32 $0x7800, v24;
	v3 =	vadd.s32 $0x7800, v25;
	v34 =	vld [tilespmem:s17+$0xFFFFFFF0]  }
0xe0: {  	v35 =	vadd.s32 $0x2800, v27;
	v17 =	vadd.s32 $0x5000, v27;
	v9 =	vadd.s32 $0x7800, v27;
	[tilespmem:v28+s11+$0x0] =	vst.idx.add.f32.msk $0xffff, v7  }
0xe1: {  	v7 =	vadd.s32 $0x7800, v26;
	v36 =	vand.u32 $0x7F, v29;
	v29 =	vshll.u32 v29, $0x2;
	v30 =	vld.idx.msk [tilespmem:v30+s2+$0x0], $0xffff  }
0xe2: {  	v39 =	vor.u32 $0x80, v28;
	v29 =	vand.u32 $0xFFFFFE00, v29;
	v37 =	vshll.u32 v31, $0x2;
	v38 =	vld [tilespmem:s17+$0x0]  }
0xe3: {  	v42 =	vadd.s32 $0x5000, v20;
	v37 =	vand.u32 $0xFFFFFE00, v37;
	v40 =	vshll.u32 v32, $0x2;
	v41 =	vld [tilespmem:s17+$0x10]  }
0xe4: {  	v31 =	vand.u32 $0x7F, v31;
	v40 =	vand.u32 $0xFFFFFE00, v40;
	v43 =	vshll.u32 v34, $0x2;
	v44 =	vld [tilespmem:s17+$0x20]  }
0xe5: {  	v32 =	vand.u32 $0x7F, v32;
	v34 =	vand.u32 $0x7F, v34;
	v27 =	vld.idx.msk [tilespmem:v27+s2+$0x0], $0xffff;
	v43 =	vand.u32 $0xFFFFFE00, v43  }
0xe6: {  	v29 =	vor.u32 v36, v29;
	v31 =	vor.u32 v31, v37;
	v32 =	vor.u32 v32, v40;
	v21 =	vld.idx.msk [tilespmem:v21+s2+$0x0], $0xffff  }
0xe7: {  	v34 =	vor.u32 v34, v43;
	v36 =	vand.u32 $0x7F, v38;
	v37 =	vshll.u32 v38, $0x2;
	[tilespmem:v39+s11+$0x0] =	vst.idx.add.f32.msk $0xffff, v30  }
0xe8: {  	v30 =	vand.u32 $0xFFFFFE00, v37;
	v37 =	vand.u32 $0x7F, v41;
	v38 =	vshll.u32 v41, $0x2;
	v39 =	vld.idx.msk [tilespmem:v42+s2+$0x0], $0xffff  }
0xe9: {  	v41 =	vor.u32 $0x100, v28;
	v22 =	vld.idx.msk [tilespmem:v22+s2+$0x0], $0xffff;
	v38 =	vand.u32 $0xFFFFFE00, v38;
	v40 =	vshll.u32 v44, $0x2  }
0xea: {  	v20 =	vadd.s32 $0x7800, v20;
	v42 =	vand.u32 $0x7F, v44;
	v23 =	vld.idx.msk [tilespmem:v23+s2+$0x0], $0xffff;
	v40 =	vand.u32 $0xFFFFFE00, v40  }
0xeb: {  	v30 =	vor.u32 v36, v30;
	v36 =	vor.u32 v37, v38;
	v24 =	vld.idx.msk [tilespmem:v24+s2+$0x0], $0xffff;
	v37 =	vor.u32 v42, v40  }
0xec: {  	v38 =	vor.u32 $0x80, v29;
	v40 =	vor.u32 $0x80, v31;
	v42 =	vor.u32 $0x80, v32;
	v25 =	vld.idx.msk [tilespmem:v25+s2+$0x0], $0xffff  }
0xed: {  	v43 =	vor.u32 $0x80, v34;
	v44 =	vor.u32 $0x80, v30;
	v45 =	vor.u32 $0x80, v36;
	v26 =	vld.idx.msk [tilespmem:v26+s2+$0x0], $0xffff  }
0xee: {  	v46 =	vor.u32 $0x100, v29;
	v47 =	vor.u32 $0x100, v31;
	v48 =	vor.u32 $0x80, v37;
	[tilespmem:v41+s11+$0x0] =	vst.idx.add.f32.msk $0xffff, v39  }
0xef: {  	v49 =	vor.u32 $0x100, v30;
	v39 =	vor.u32 $0x100, v32;
	v41 =	vor.u32 $0x100, v34;
	v20 =	vld.idx.msk [tilespmem:v20+s2+$0x0], $0xffff  }
0xf0: {  	v28 =	vor.u32 $0x180, v28;
	v50 =	vor.u32 $0x100, v37;
	[tilespmem:v29+s11+$0x0] =	vst.idx.add.f32.msk $0xffff, v27;
	v27 =	vor.u32 $0x100, v36  }
0xf1: {  	v29 =	vor.u32 $0x180, v29;
	[tilespmem:v31+s11+$0x0] =	vst.idx.add.f32.msk $0xffff, v21;
	v21 =	vor.u32 $0x180, v31;
	v31 =	vor.u32 $0x180, v32  }
0xf2: {  	v51 =	vor.u32 $0x180, v36;
	[tilespmem:v32+s11+$0x0] =	vst.idx.add.f32.msk $0xffff, v22;
	v22 =	vor.u32 $0x180, v34;
	v32 =	vor.u32 $0x180, v30  }
0xf3: {  	[tilespmem:v34+s11+$0x0] =	vst.idx.add.f32.msk $0xffff, v23;
	v23 =	vor.u32 $0x180, v37  }
0xf4: {  	[tilespmem:v30+s11+$0x0] =	vst.idx.add.f32.msk $0xffff, v24  }
0xf5: {  	[tilespmem:v28+s11+$0x0] =	vst.idx.add.f32.msk $0xffff, v20  }
0xf6: {  	[tilespmem:v36+s11+$0x0] =	vst.idx.add.f32.msk $0xffff, v25  }
0xf7: {  	[tilespmem:v37+s11+$0x0] =	vst.idx.add.f32.msk $0xffff, v26  }
0xf8: {  	v20 =	vld.idx.msk [tilespmem:v35+s2+$0x0], $0xffff  }
0xf9: {  	v14 =	vld.idx.msk [tilespmem:v14+s2+$0x0], $0xffff  }
0xfa: {  	v15 =	vld.idx.msk [tilespmem:v15+s2+$0x0], $0xffff  }
0xfb: {  	v16 =	vld.idx.msk [tilespmem:v16+s2+$0x0], $0xffff  }
0xfc: {  	v18 =	vld.idx.msk [tilespmem:v18+s2+$0x0], $0xffff  }
0xfd: {  	v19 =	vld.idx.msk [tilespmem:v19+s2+$0x0], $0xffff  }
0xfe: {  	v24 =	vld.idx.msk [tilespmem:v33+s2+$0x0], $0xffff  }
0xff: {  	[tilespmem:v38+s11+$0x0] =	vst.idx.add.f32.msk $0xffff, v20  }
0x100: {  	[tilespmem:v40+s11+$0x0] =	vst.idx.add.f32.msk $0xffff, v14  }
0x101: {  	[tilespmem:v42+s11+$0x0] =	vst.idx.add.f32.msk $0xffff, v15  }
0x102: {  	[tilespmem:v43+s11+$0x0] =	vst.idx.add.f32.msk $0xffff, v16  }
0x103: {  	[tilespmem:v44+s11+$0x0] =	vst.idx.add.f32.msk $0xffff, v18  }
0x104: {  	[tilespmem:v45+s11+$0x0] =	vst.idx.add.f32.msk $0xffff, v19  }
0x105: {  	[tilespmem:v48+s11+$0x0] =	vst.idx.add.f32.msk $0xffff, v24  }
0x106: {  	v14 =	vld.idx.msk [tilespmem:v17+s2+$0x0], $0xffff  }
0x107: {  	v4 =	vld.idx.msk [tilespmem:v4+s2+$0x0], $0xffff  }
0x108: {  	v8 =	vld.idx.msk [tilespmem:v8+s2+$0x0], $0xffff  }
0x109: {  	v10 =	vld.idx.msk [tilespmem:v10+s2+$0x0], $0xffff  }
0x10a: {  	v11 =	vld.idx.msk [tilespmem:v11+s2+$0x0], $0xffff  }
0x10b: {  	v12 =	vld.idx.msk [tilespmem:v12+s2+$0x0], $0xffff  }
0x10c: {  	v13 =	vld.idx.msk [tilespmem:v13+s2+$0x0], $0xffff  }
0x10d: {  	[tilespmem:v46+s11+$0x0] =	vst.idx.add.f32.msk $0xffff, v14  }
0x10e: {  	[tilespmem:v47+s11+$0x0] =	vst.idx.add.f32.msk $0xffff, v4  }
0x10f: {  	[tilespmem:v39+s11+$0x0] =	vst.idx.add.f32.msk $0xffff, v8  }
0x110: {  	[tilespmem:v41+s11+$0x0] =	vst.idx.add.f32.msk $0xffff, v10  }
0x111: {  	[tilespmem:v49+s11+$0x0] =	vst.idx.add.f32.msk $0xffff, v11  }
0x112: {  	[tilespmem:v27+s11+$0x0] =	vst.idx.add.f32.msk $0xffff, v12  }
0x113: {  	[tilespmem:v50+s11+$0x0] =	vst.idx.add.f32.msk $0xffff, v13  }
0x114: {  	v4 =	vld.idx.msk [tilespmem:v9+s2+$0x0], $0xffff  }
0x115: {  	v1 =	vld.idx.msk [tilespmem:v1+s2+$0x0], $0xffff  }
0x116: {  	v2 =	vld.idx.msk [tilespmem:v2+s2+$0x0], $0xffff  }
0x117: {  	v6 =	vld.idx.msk [tilespmem:v6+s2+$0x0], $0xffff  }
0x118: {  	v5 =	vld.idx.msk [tilespmem:v5+s2+$0x0], $0xffff  }
0x119: {  	v3 =	vld.idx.msk [tilespmem:v3+s2+$0x0], $0xffff  }
0x11a: {  	v7 =	vld.idx.msk [tilespmem:v7+s2+$0x0], $0xffff  }
0x11b: {  	[tilespmem:v29+s11+$0x0] =	vst.idx.add.f32.msk $0xffff, v4  }
0x11c: {  	[tilespmem:v21+s11+$0x0] =	vst.idx.add.f32.msk $0xffff, v1  }
.Ltmp6:
0x11d: {  	[tilespmem:v31+s11+$0x0] =	vst.idx.add.f32.msk $0xffff, v2;
	(pc) =	sbr.rel @p2 .LBB2_16-.Ltmp6, $4  }
0x11e: {  	[tilespmem:v22+s11+$0x0] =	vst.idx.add.f32.msk $0xffff, v6  }
0x11f: {  	[tilespmem:v32+s11+$0x0] =	vst.idx.add.f32.msk $0xffff, v5  }
0x120: {  	[tilespmem:v51+s11+$0x0] =	vst.idx.add.f32.msk $0xffff, v3  }
0x121: {  	s19 =	sadd.s32 $0x100, s19;
	[tilespmem:v23+s11+$0x0] =	vst.idx.add.f32.msk $0xffff, v7  }
0x122: {  	p2 =	seq.s32 s16, $0x19  }
.Ltmp7:
0x123: {  	_ = 	snop;
	(pc) =	sbr.rel @!p2 .LBB2_9-.Ltmp7, $2  }
0x124: {  	_ =	sdelay $0x2  }
0x125: {  	p0 =	por !p0, !p0;
	p1 =	por !p1, !p1  }
0x126: {  	s15 =	sadd.s32 $0x1, s15  }
0x127: {  	p0 =	sne.s32 s15, s9  }
.Ltmp8:
0x128: {  	_ = 	snop;
	(pc) =	sbr.rel @p0 .LBB2_1-.Ltmp8, $4  }
0x129: {  	[hbm4b:s8+s12] =	stream.strided.scatter [tilespmem:s11], [sflag:$0x4], $0xA000, s13, s12, $0x38;
	[tilespmem:$0x1A400] =	vst v63  }
0x12a: {  	_ =	swait.ge [sflag:s14], $0xA000  }
0x12b: {  	[sflag:s14] =	ssyncset.done $0x0  }
0x12c: {  	[sflag:s14] =	ssyncadd.s32 $0xFFFF6000  }
0x12d: {  	_ =	sfence.sel $0x180000  }
0x12e: {  	[bflag:$0x0] =	sbarrier.arrive $0xFFFF  }
0x12f: {  	p0 =	sne.s32 s0, $0x0;
	_ =	strace $0x9000004A  }
0x130: {  	s0 =	sadd.s32 @!p0 $0x100000, s1;
	[bflag:$0x2] =	sbarrier.arrive $0xFFFF  }
0x131: {  	[sflag:s0] =	ssyncadd.tile.s32 @!p0 $0x1;
	_ =	shalt  }
.Lfunc_end2:
_tile_overlayer_lowered:
.L_overlay_start_2:
0x132: {  	(tag) =	ssettag $0x2  }
0x133: {  	s0 =	rddreg [dreg:$0x0];
	s2 =	stileid.u32  }
0x134: {  	s1 =	rddreg [dreg:$0x1];
	p0 =	sne.s32 s2, $0x0  }
0x135: {  	s3 =	rddreg [dreg:$0x2];
	[bflag:$0x3] =	sbarrier.arrive $0xFFFF;
	s2 =	simm.s32 @!p0 $0x1C04  }
0x136: {  	[timem:s3], [sflag:s2] =	dma.local @!p0 [hbm:s0], s1  }
0x137: {  	s0 =	simm.s32 @!p0 $0x4  }
0x138: {  	_ =	swait.ge @!p0 [sflag:s0], s1  }
0x139: {  	s1 =	ssub.s32 @!p0 $0x0, s1;
	[sflag:s0] =	ssyncset.done @!p0 $0x0  }
0x13a: {  	[sflag:s0] =	ssyncadd.s32 @!p0 s1  }
0x13b: {  	[bflag:$0x3] =	sbarrier.arrive $0xFFFF  }
0x13c: {  	_ =	shalt  }

// kernel: kernel.7.cloned.1.call-start
scs
__scs_entry_jumppad:
0x0: {  	(pc) =	sbr.rel $0x88, $3  }
0x1: {  	(tag) =	ssettag $0x0;
	lr =	simm.s32 $0x1  }
0x2: {  	[smem:$0x3F97] =	sst lr;
	_ =	strace $0xD0000000  }
0x3: {  	_ = 	snop  }
0x4: {  	_ = 	snop  }
0x5: {  	_ = 	snop  }
0x6: {  	_ = 	snop  }
0x7: {  	_ = 	snop  }
__scs_overlays_trampoline_lowered:
0x8: {  	[smem:$0x3FA6] =	sst s0  }
0x9: {  	[smem:$0x3FA7] =	sst s1  }
0xa: {  	[smem:$0x3FA8] =	sst s2  }
0xb: {  	[smem:$0x3FA9] =	sst s3  }
0xc: {  	[smem:$0x3FAA] =	sst s4  }
0xd: {  	[smem:$0x3FAB] =	sst s5  }
0xe: {  	[smem:$0x3FAC] =	sst s6  }
0xf: {  	[smem:$0x3FAD] =	sst s7  }
0x10: {  	[smem:$0x3FAE] =	sst s8  }
0x11: {  	[smem:$0x3FAF] =	sst s9;
	s0 =	simm.s32 @!p0 $0x0  }
0x12: {  	s1 =	sld [smem:$0x3F95];
	s0 =	simm.s32 @p0 $0x1  }
0x13: {  	[smem:$0x3FB0] =	sst s0;
	s0 =	simm.s32 @!p1 $0x0  }
0x14: {  	s2 =	sld [smem:$0x3F94];
	s0 =	simm.s32 @p1 $0x1  }
0x15: {  	[smem:$0x3FB1] =	sst s0;
	s0 =	simm.s32 @!p2 $0x0  }
0x16: {  	s3 =	sld [smem:$0x3FDB];
	s0 =	simm.s32 @p2 $0x1  }
0x17: {  	s4 =	simm.s32 $0x1BF5;
	[smem:$0x3FB3] =	sst s0  }
0x18: {  	s0 =	sld [smem:$0x3F96];
	_ =	swait.ge [sflag:s4], $0x0  }
0x19: {  	s7 =	sld [smem:$0x3F97]  }
0x1a: {  	s8 =	sadd.s32 $0xFFFFE003, lr  }
0x1b: {  	s9 =	sadd.s32 $0xFFFFFEF7, lr;
	s5 =	simm.s32 $0xFFFFFFFF;
	p2 =	slt.u32 s8, $0xFFFFF086  }
0x1c: {  	p1 =	slt.u32 s9, $0xF7A;
	s5 =	simm.s32 @!p2 $0x0  }
0x1d: {  	s5 =	simm.s32 @p1 $0x1;
	p0 =	seq.s32 s7, s2  }
0x1e: {  	s7 =	smul.u32 @!p0 $0xF7A, s2;
	p2 =	seq.s32 @!p0 s5, $0x0  }
0x1f: {  	s9 =	smul.u32 $0xF7A, s1;
	s8 =	simm.s32 @!p0 $0x1BF5;
	p2 =	por !p2, p0  }
0x20: {  	[sflag:s8] =	ssyncset.s32 @!p0 $0xFFFFF086;
	s6 =	sadd.s32 @!p0 s3, s7;
	s7 =	simm.s32 @!p0 $0x108  }
0x21: {  	s3 =	sadd.s32 s3, s9;
	s6 =	sadd.s32 @!p0 $0x88, s6;
	s7 =	simm.s32 @p2 $0x1082  }
0x22: {  	[simem:s7], [sflag:s8] =	dma.local @!p0 [hbm:s6], $0xF7A  }
0x23: {  	s9 =	sor.u32 $0xD0000000, s2;
	s6 =	simm.s32 $0x108;
	_ =	swait.ge @!p0 [sflag:s8], $0x0  }
0x24: {  	s3 =	sadd.s32 $0x88, s3;
	s6 =	simm.s32 @!p1 $0x1082;
	[sflag:s4] =	ssyncset.s32 $0xFFFFF086  }
0x25: {  	[simem:s6], [sflag:s4] =	dma.local [hbm:s3], $0xF7A  }
0x26: {  	[smem:$0x3F97] =	sst s1;
	(tag) =	ssettag s2;
	_ =	strace s9  }
0x27: {  	s1 =	sld [smem:$0x3FA7]  }
0x28: {  	s2 =	sld [smem:$0x3FA8]  }
0x29: {  	s4 =	sld [smem:$0x3FAA]  }
0x2a: {  	p0 =	seq.s32 s5, $0x0;
	s5 =	sld [smem:$0x3FAB]  }
0x2b: {  	s6 =	sld [smem:$0x3FAC]  }
0x2c: {  	s7 =	sld [smem:$0x3FAD]  }
0x2d: {  	s3 =	simm.s32 $0x108;
	s8 =	sld [smem:$0x3FAE]  }
0x2e: {  	s3 =	simm.s32 @!p0 $0x1082;
	s9 =	sld [smem:$0x3FAF]  }
0x2f: {  	lr =	sadd.s32 s0, s3;
	s0 =	sld [smem:$0x3FA6]  }
0x30: {  	s3 =	sld [smem:$0x3FA9]  }
0x31: {  	[smem:$0x3FB2] =	sst s10  }
0x32: {  	s10 =	sld [smem:$0x3FB0];
	_ =	sdelay $0x3  }
0x33: {  	p0 =	seq.s32 s10, $0x1;
	s10 =	sld [smem:$0x3FB2];
	_ =	sdelay $0x3  }
0x34: {  	[smem:$0x3FB2] =	sst s10  }
0x35: {  	s10 =	sld [smem:$0x3FB1];
	_ =	sdelay $0x3  }
0x36: {  	p1 =	seq.s32 s10, $0x1;
	s10 =	sld [smem:$0x3FB2];
	_ =	sdelay $0x3  }
0x37: {  	[smem:$0x3FB2] =	sst s10  }
0x38: {  	s10 =	sld [smem:$0x3FB3]  }
0x39: {  	_ = 	snop;
	(pc) =	sbr.ind lr, $3  }
0x3a: {  	_ = 	snop  }
0x3b: {  	_ = 	snop  }
0x3c: {  	p2 =	seq.s32 s10, $0x1;
	s10 =	sld [smem:$0x3FB2]  }
0x3d: {  	_ =	shalt  }
0x3e: {  	_ =	shalt  }
0x3f: {  	_ =	shalt  }
0x40: {  	_ =	shalt  }
0x41: {  	_ =	shalt  }
0x42: {  	_ =	shalt  }
0x43: {  	_ =	shalt  }
0x44: {  	_ =	shalt  }
0x45: {  	_ =	shalt  }
0x46: {  	_ =	shalt  }
0x47: {  	_ =	shalt  }
0x48: {  	_ =	shalt  }
0x49: {  	_ =	shalt  }
0x4a: {  	_ =	shalt  }
0x4b: {  	_ =	shalt  }
0x4c: {  	_ =	shalt  }
0x4d: {  	_ =	shalt  }
0x4e: {  	_ =	shalt  }
0x4f: {  	_ =	shalt  }
0x50: {  	_ =	shalt  }
0x51: {  	_ =	shalt  }
0x52: {  	_ =	shalt  }
0x53: {  	_ =	shalt  }
0x54: {  	_ =	shalt  }
0x55: {  	_ =	shalt  }
0x56: {  	_ =	shalt  }
0x57: {  	_ =	shalt  }
0x58: {  	_ =	shalt  }
0x59: {  	_ =	shalt  }
0x5a: {  	_ =	shalt  }
0x5b: {  	_ =	shalt  }
0x5c: {  	_ =	shalt  }
0x5d: {  	_ =	shalt  }
0x5e: {  	_ =	shalt  }
0x5f: {  	_ =	shalt  }
0x60: {  	_ =	shalt  }
0x61: {  	_ =	shalt  }
0x62: {  	_ =	shalt  }
0x63: {  	_ =	shalt  }
0x64: {  	_ =	shalt  }
0x65: {  	_ =	shalt  }
0x66: {  	_ =	shalt  }
0x67: {  	_ =	shalt  }
0x68: {  	_ =	shalt  }
0x69: {  	_ =	shalt  }
0x6a: {  	_ =	shalt  }
0x6b: {  	_ =	shalt  }
0x6c: {  	_ =	shalt  }
0x6d: {  	_ =	shalt  }
0x6e: {  	_ =	shalt  }
0x6f: {  	_ =	shalt  }
0x70: {  	_ =	shalt  }
0x71: {  	_ =	shalt  }
0x72: {  	_ =	shalt  }
0x73: {  	_ =	shalt  }
0x74: {  	_ =	shalt  }
0x75: {  	_ =	shalt  }
0x76: {  	_ =	shalt  }
0x77: {  	_ =	shalt  }
0x78: {  	_ =	shalt  }
0x79: {  	_ =	shalt  }
0x7a: {  	_ =	shalt  }
0x7b: {  	_ =	shalt  }
0x7c: {  	_ =	shalt  }
0x7d: {  	_ =	shalt  }
0x7e: {  	_ =	shalt  }
0x7f: {  	_ =	shalt  }
0x80: {  	_ =	shalt  }
0x81: {  	_ =	shalt  }
0x82: {  	_ =	shalt  }
0x83: {  	_ =	shalt  }
0x84: {  	_ =	shalt  }
0x85: {  	_ =	shalt  }
0x86: {  	_ =	shalt  }
0x87: {  	_ =	shalt  }
.Lfunc_end0:
.L_simem_size_0:
called_computation_lowered:
.L_overlay_start_0:
0x88: {  	s2 =	sld [smem:$0x3FD9]  }
0x89: {  	s3 =	sld [smem:$0x3FFE];
	_ =	sdelay $0x1  }
0x8a: {  	s1 =	srdreg.scid  }
0x8b: {  	s0 =	sand.u32 $0x1, s1  }
0x8c: {  	s16 =	sshll.u32 s0, $0xA;
	s2 =	sadd.s32 s3, s2  }
0x8d: {  	s2 =	sadd.s32 s2, s16  }
0x8e: {  	[smem:$0x3FBE] =	sst s2  }
0x8f: {  	_ = 	snop  }
0x90: {  	(tm) =	ssettm $0x1  }
0x91: {  	s17 =	sld [smem:$0x3FFB];
	_ =	sdelay $0x3  }
0x92: {  	_ =	strace s17  }
0x93: {  	s2 =	sld [smem:$0x3FFC];
	_ =	sdelay $0x3  }
0x94: {  	_ =	strace s2  }
0x95: {  	s2 =	sld [smem:$0x3FFD];
	_ =	sdelay $0x3  }
0x96: {  	_ =	strace s2  }
0x97: {  	_ =	strace $0x8FFFFFFF  }
0x98: {  	s18 =	sld [smem:$0x3FDB];
	_ =	sdelay $0x1  }
0x99: {  	s19 =	simm.s32 $_scs_section_size  }
0x9a: {  	s4 =	simm.s32 $_size__tile_overlayer_lowered;
	s5 =	simm.s32 $_tile_overlayer_lowered  }
0x9b: {  	s22 =	simm.s32 $0x1BFF;
	s21 =	sshll.u32 s5, $0x1;
	s2 =	sadd.s32 s19, s18  }
0x9c: {  	s6 =	simm.s32 $0x0;
	s20 =	sshll.u32 s4, $0x1;
	s4 =	sadd.s32 s21, s2  }
0x9d: {  	[timem:s6], [sflag:s22] =	dma.local [hbm:s4], s20  }
0x9e: {  	_ =	swait.ge [sflag:s22], s20  }
0x9f: {  	s3 =	ssub.s32 $0x0, s20;
	[sflag:s22] =	ssyncset.done $0x0  }
0xa0: {  	[sflag:s22] =	ssyncadd.s32 s3;
	_ =	sdelay $0x1  }
0xa1: {  	s23 =	simm.s32 $0x1B8B  }
0xa2: {  	_ =	swait.ge [sflag:s23], $0x1  }
0xa3: {  	[sflag:s23] =	ssyncset.done $0x0  }
0xa4: {  	s25 =	simm.s32 $0x1B8E;
	s24 =	sld [smem:$0x3FFE];
	[sflag:s23] =	ssyncadd.s32 $0xFFFFFFFF  }
0xa5: {  	s26 =	simm.s32 $execute0_lowered;
	[smem:$0x3FD2] =	sst s25  }
0xa6: {  	s4 =	sshll.u32 s26, $0x1;
	_ =	strace $0x80000046;
	[dreg:$0x1] =	wrdreg $0xFFFFFFFF  }
0xa7: {  	s28 =	simm.s32 $_size_execute0_lowered;
	s2 =	sadd.s32 s2, s4;
	[dreg:$0x0] =	wrdreg $0x0  }
0xa8: {  	s4 =	sshll.u32 s28, $0x1;
	[dreg:$0x2] =	wrdreg s2  }
0xa9: {  	[dreg:$0x3] =	wrdreg s4  }
0xaa: {  	[dreg:$0x4] =	wrdreg $0xC0  }
0xab: {  	_ =	task [dreg:s6], $0x5FFFF  }
0xac: {  	[dreg:$0x1] =	wrdreg $0xFFFFFFFF  }
0xad: {  	[dreg:$0x0] =	wrdreg $0x60  }
0xae: {  	[dreg:$0x2] =	wrdreg s24  }
0xaf: {  	[dreg:$0x3] =	wrdreg $0x9  }
0xb0: {  	_ =	task.clear_ibuf [dreg:s6], $0x4FFFF;
	_ =	strace $0x90000046  }
0xb1: {  	s29 =	simm.s32 $0x9;
	_ =	strace $0x80000048  }
0xb2: {  	_ =	swait.ge [sflag:s29], $0x1  }
0xb3: {  	[sflag:s29] =	ssyncadd.s32 $0xFFFFFFFF  }
0xb4: {  	_ =	strace $0x90000048  }
0xb5: {  	_ =	sfence  }
0xb6: {  	s30 =	sld [smem:$0x0];
	_ =	sdelay $0x2  }
0xb7: {  	s31 =	sshll.u32 s1, $0xD;
	s1 =	sshrl.u32 s1, $0x2  }
0xb8: {  	s3 =	sand.u32 $0x4000, s31;
	s1 =	sadd.s32 s1, s30  }
0xb9: {  	s0 =	sor.u32 s3, s0;
	s1 =	sshll.u32 s1, $0x11  }
0xba: {  	s0 =	sor.u32 s1, s0  }
0xbb: {  	s0 =	sadd.s32 $0x8F2B, s0  }
0xbc: {  	[sflag:s0] =	ssyncadd.remote.s32 $0x1  }
0xbd: {  	_ =	sfence.sel $0xFFFF  }
0xbe: {  	[dreg:$0x0] =	wrdreg $0xFFFFFFFF;
	(pc) =	sbr.abs _section_cstart, $3  }
0xbf: {  	[dreg:$0x1] =	wrdreg $0xFFFFFFFF  }
0xc0: {  	_ =	task.clear_ibuf [dreg:s6], $0x2FFFF;
	_ =	strace $0x9FFFFFFF  }
0xc1: {  	(tm) =	ssettm $0x7FFFFFFF  }
tec
execute0_lowered:
.L_overlay_start_1:
0x0: {  	(tag) =	ssettag $0x1  }
0x1: {  	s5 =	rddreg [dreg:$0x0];
	s3 =	srdreg.scid  }
0x2: {  	s2 =	simm.s32 $0x0;
	s0 =	stileid.u32;
	s15 =	simm.s32 $0xA000  }
0x3: {  	s16 =	simm.s32 $0x200;
	s17 =	simm.s32 $0x400;
	s18 =	simm.s32 $0x4  }
0x4: {  	s19 =	simm.s32 $0x80;
	s4 =	sand.u32 $0x1, s3;
	s8 =	smul.u32 $0x1400, s0  }
0x5: {  	[smem:$0x7FF] =	sst s2;
	s6 =	sshrl.u32 s0, $0x1;
	s11 =	smul.u32 $0x320, s0  }
0x6: {  	s9 =	sshll.u32 s0, $0x9;
	s23 =	sshll.u32 s0, $0x7;
	s31 =	smul.u32 $0x190, s0  }
0x7: {  	s29 =	sshll.u32 s0, $0x4;
	s3 =	smul.u32 $0xA0000, s4;
	_ =	strace $0x80000047  }
0x8: {  	s6 =	smul.u32 $0x14000, s6;
	s7 =	sshll.u32 s4, $0x4;
	s21 =	sand.u32 $0x200, s9  }
0x9: {  	s25 =	ssub.s32 $0x2, s4;
	s4 =	smul.u32 $0x27100, s4;
	s13 =	sand.u32 $0x70, s29  }
0xa: {  	s7 =	sor.u32 s0, s7;
	s8 =	sadd.s32 s8, s5;
	s26 =	sshrl.u32 s25, $0x1  }
0xb: {  	s14 =	sand.u32 $0x3F00, s11;
	s11 =	sadd.s32 $0x60, s11;
	s3 =	sadd.s32 s3, s6  }
0xc: {  	s7 =	sshrl.u32 s7, $0x3;
	s12 =	ssub.s32 s25, s26;
	s28 =	sshrl.u32 s4, $0x3  }
0xd: {  	s30 =	sor.u32 s13, s14;
	s13 =	simm.s32 $0x3;
	s22 =	smul.u32 $0x14000, s7  }
0xe: {  	s14 =	simm.s32 $0x1A400;
	s3 =	sor.u32 s21, s3;
	s7 =	sand.u32 $0x380, s23  }
0xf: {  	s20 =	sadd.s32 $0x17500, s30;
	s24 =	sshrl.u32 s3, $0x3;
	s6 =	sor.u32 s7, s22  }
0x10: {  	s3 =	sadd.s32 $0x16200, s5;
	v2 =	vmov s20;
	s20 =	simm.s32 $0x0;
	s6 =	sshrl.u32 s6, $0x3  }
0x11: {  	s9 =	sadd.s32 s24, s5;
	s10 =	sadd.s32 s6, s5;
	s5 =	sadd.s32 s3, s28  }
0x12: {  	s6 =	sadd.s32 $0x2200, s8;
	s8 =	sadd.s32 $0x29C00, s9;
	s7 =	sadd.s32 $0x9C40, s5  }
0x13: {  	v0 =	vimm.f32 $0.0e+00;
	v1 =	vimm.f32 $1.000000000e+00;
	s9 =	sadd.s32 $0x51C00, s10;
	s10 =	smax.u32 s12, $0x1;
	s12 =	sadd.s32 $0x30, s31  }
.LBB2_1:
0x14: {  	[tilespmem:s2], [sflag:$0x3] =	stream.linear.gather [hbm4b:s6+s2], $0xA000, $0x38;
	[tilespmem:$0x1CC00] =	vst v63  }
0x15: {  	s21 =	simm.s32 $0x14000  }
0x16: {  	s22 =	simm.s32 $0x10;
	s24 =	sadd.s32 $0x0, s5;
	s23 =	simm.s32 $0x14100  }
.LBB2_2:
0x17: {  	[tilespmem:s21], [sflag:$0x1] =	stream.linear.gather [hbm4b:s24+s2], $0x80, $0x38;
	[tilespmem:$0x1CC00] =	vst v63  }
0x18: {  	s24 =	smov.u32 s22;
	s21 =	smov.u32 s23;
	p0 =	sne.s32 s22, $0x310  }
.Ltmp0:
0x19: {  	s22 =	sadd.s32 $0x10, s22;
	(pc) =	sbr.rel @p0 .LBB2_2-.Ltmp0, $2  }
0x1a: {  	_ =	sdelay $0x2  }
0x1b: {  	s23 =	sadd.s32 $0x100, s23;
	s24 =	sadd.s32 s24, s5  }
0x1c: {  	[tilespmem:s21], [sflag:$0x1] =	stream.linear.gather [hbm4b:s24+s2], $0x80, $0x38;
	[tilespmem:$0x1CC00] =	vst v63  }
0x1d: {  	s21 =	simm.s32 $0x0;
	s22 =	simm.s32 $0x17200  }
.LBB2_4:
0x1e: {  	p0 =	sne.s32 s21, $0x310  }
.Ltmp1:
0x1f: {  	_ = 	snop;
	(pc) =	sbr.rel @p0 .LBB2_4-.Ltmp1, $4  }
0x20: {  	_ = 	snop  }
0x21: {  	s23 =	sadd.s32 s21, s7  }
0x22: {  	[tilespmem:s22], [sflag:$0x1] =	stream.linear.gather [hbm4b:s23+s2], $0x80, $0x38;
	[tilespmem:$0x1CC00] =	vst v63  }
0x23: {  	s21 =	sadd.s32 $0x10, s21;
	s22 =	sadd.s32 $0x100, s22  }
0x24: {  	s21 =	simm.s32 $0xA100  }
0x25: {  	[tilespmem:s21+$0xFFFFFF00] =	vst v0  }
0x26: {  	[tilespmem:s21+$0xF0] =	vst v0  }
0x27: {  	[tilespmem:s21+$0x70] =	vst v0  }
0x28: {  	[tilespmem:s21+$0xFFFFFFF0] =	vst v0  }
0x29: {  	[tilespmem:s21+$0xFFFFFF70] =	vst v0  }
0x2a: {  	[tilespmem:s21+$0xE0] =	vst v0  }
0x2b: {  	[tilespmem:s21+$0x60] =	vst v0  }
0x2c: {  	[tilespmem:s21+$0xFFFFFFE0] =	vst v0  }
0x2d: {  	[tilespmem:s21+$0xFFFFFF60] =	vst v0  }
0x2e: {  	[tilespmem:s21+$0xD0] =	vst v0  }
0x2f: {  	[tilespmem:s21+$0x50] =	vst v0  }
0x30: {  	[tilespmem:s21+$0xFFFFFFD0] =	vst v0  }
0x31: {  	[tilespmem:s21+$0xFFFFFF50] =	vst v0  }
0x32: {  	[tilespmem:s21+$0xC0] =	vst v0  }
0x33: {  	[tilespmem:s21+$0x40] =	vst v0  }
0x34: {  	[tilespmem:s21+$0xFFFFFFC0] =	vst v0  }
0x35: {  	[tilespmem:s21+$0xFFFFFF40] =	vst v0  }
0x36: {  	[tilespmem:s21+$0xB0] =	vst v0  }
0x37: {  	[tilespmem:s21+$0x30] =	vst v0  }
0x38: {  	[tilespmem:s21+$0xFFFFFFB0] =	vst v0  }
0x39: {  	[tilespmem:s21+$0xFFFFFF30] =	vst v0  }
0x3a: {  	[tilespmem:s21+$0xA0] =	vst v0  }
0x3b: {  	[tilespmem:s21+$0x20] =	vst v0  }
0x3c: {  	[tilespmem:s21+$0xFFFFFFA0] =	vst v0  }
0x3d: {  	[tilespmem:s21+$0xFFFFFF20] =	vst v0  }
0x3e: {  	[tilespmem:s21+$0x90] =	vst v0  }
0x3f: {  	[tilespmem:s21+$0x10] =	vst v0  }
0x40: {  	[tilespmem:s21+$0xFFFFFF90] =	vst v0  }
0x41: {  	[tilespmem:s21+$0xFFFFFF10] =	vst v0  }
0x42: {  	[tilespmem:s21+$0x80] =	vst v0  }
0x43: {  	s23 =	simm.s32 $0x0;
	[tilespmem:s21+$0x0] =	vst v0  }
.LBB2_6:
0x44: {  	s23 =	sadd.s32 $0x8, s23;
	[tilespmem:s21+$0xFFFFFF80] =	vst v0;
	s21 =	sadd.s32 $0x200, s21;
	s22 =	simm.s32 $0x1A440  }
0x45: {  	[tilespmem:s21+$0xFFFFFF00] =	vst v0;
	p0 =	slt.u32 s23, $0x278  }
0x46: {  	[tilespmem:s21+$0xF0] =	vst v0  }
0x47: {  	[tilespmem:s21+$0x70] =	vst v0  }
0x48: {  	[tilespmem:s21+$0xFFFFFFF0] =	vst v0  }
0x49: {  	[tilespmem:s21+$0xFFFFFF70] =	vst v0  }
0x4a: {  	[tilespmem:s21+$0xE0] =	vst v0  }
0x4b: {  	[tilespmem:s21+$0x60] =	vst v0  }
0x4c: {  	[tilespmem:s21+$0xFFFFFFE0] =	vst v0  }
0x4d: {  	[tilespmem:s21+$0xFFFFFF60] =	vst v0  }
0x4e: {  	[tilespmem:s21+$0xD0] =	vst v0  }
0x4f: {  	[tilespmem:s21+$0x50] =	vst v0  }
0x50: {  	[tilespmem:s21+$0xFFFFFFD0] =	vst v0  }
0x51: {  	[tilespmem:s21+$0xFFFFFF50] =	vst v0  }
0x52: {  	[tilespmem:s21+$0xC0] =	vst v0  }
0x53: {  	[tilespmem:s21+$0x40] =	vst v0  }
0x54: {  	[tilespmem:s21+$0xFFFFFFC0] =	vst v0  }
0x55: {  	[tilespmem:s21+$0xFFFFFF40] =	vst v0  }
0x56: {  	[tilespmem:s21+$0xB0] =	vst v0  }
0x57: {  	[tilespmem:s21+$0x30] =	vst v0  }
0x58: {  	[tilespmem:s21+$0xFFFFFFB0] =	vst v0  }
0x59: {  	[tilespmem:s21+$0xFFFFFF30] =	vst v0  }
0x5a: {  	[tilespmem:s21+$0xA0] =	vst v0  }
0x5b: {  	[tilespmem:s21+$0x20] =	vst v0  }
0x5c: {  	[tilespmem:s21+$0xFFFFFFA0] =	vst v0  }
0x5d: {  	[tilespmem:s21+$0xFFFFFF20] =	vst v0  }
0x5e: {  	[tilespmem:s21+$0x90] =	vst v0  }
.Ltmp2:
0x5f: {  	[tilespmem:s21+$0x10] =	vst v0;
	(pc) =	sbr.rel @p0 .LBB2_6-.Ltmp2, $4  }
0x60: {  	[tilespmem:s21+$0xFFFFFF90] =	vst v0  }
0x61: {  	[tilespmem:s21+$0xFFFFFF10] =	vst v0  }
0x62: {  	[tilespmem:s21+$0x80] =	vst v0  }
0x63: {  	[tilespmem:s21+$0x0] =	vst v0  }
0x64: {  	[tilespmem:s21+$0xFFFFFF80] =	vst v0  }
0x65: {  	[tilespmem:s22+$0xFFFFFFC0] =	vst v0  }
0x66: {  	[tilespmem:s22+$0x30] =	vst v0  }
0x67: {  	[tilespmem:s22+$0x20] =	vst v0  }
0x68: {  	[tilespmem:s22+$0x10] =	vst v0  }
0x69: {  	[tilespmem:s22+$0x0] =	vst v0  }
0x6a: {  	[tilespmem:s22+$0xFFFFFFF0] =	vst v0  }
0x6b: {  	s21 =	simm.s32 $0x0;
	[tilespmem:s22+$0xFFFFFFE0] =	vst v0  }
.LBB2_8:
0x6c: {  	s21 =	sadd.s32 $0x8, s21;
	[tilespmem:s22+$0xFFFFFFD0] =	vst v0;
	s22 =	sadd.s32 $0x80, s22  }
0x6d: {  	[tilespmem:s22+$0xFFFFFFC0] =	vst v0;
	p0 =	slt.u32 s21, $0x278  }
0x6e: {  	[tilespmem:s22+$0x30] =	vst v0  }
.Ltmp3:
0x6f: {  	[tilespmem:s22+$0x20] =	vst v0;
	(pc) =	sbr.rel @p0 .LBB2_8-.Ltmp3, $4  }
0x70: {  	[tilespmem:s22+$0x10] =	vst v0  }
0x71: {  	[tilespmem:s22+$0x0] =	vst v0  }
0x72: {  	[tilespmem:s22+$0xFFFFFFF0] =	vst v0  }
0x73: {  	[tilespmem:s22+$0xFFFFFFE0] =	vst v0  }
0x74: {  	[tilespmem:s22+$0xFFFFFFD0] =	vst v0  }
0x75: {  	_ =	swait.ge [sflag:s13], $0xA000  }
0x76: {  	s22 =	simm.s32 $0x0;
	[sflag:s13] =	ssyncset.done $0x0  }
0x77: {  	p0 =	por $0x1, $0x1;
	p1 =	por $0x0, $0x0;
	[sflag:s13] =	ssyncadd.s32 $0xFFFF6000  }
.LBB2_11:
0x78: {  	s21 =	sand.u32 $0x1, s22  }
0x79: {  	s21 =	sadd.s32 $0x1, s21  }
0x7a: {  	p2 =	seq.s32 s22, $0x18;
	_ =	swait.ge [sflag:s21], $0x1900  }
.Ltmp4:
0x7b: {  	[sflag:s21] =	ssyncset.done $0x0;
	(pc) =	sbr.rel @p2 .LBB2_17-.Ltmp4, $4  }
0x7c: {  	[sflag:s21] =	ssyncadd.s32 $0xFFFFE700  }
0x7d: {  	_ =	swait.ge [sflag:s21], $0x1900  }
0x7e: {  	[sflag:s21] =	ssyncset.done $0x0  }
0x7f: {  	[sflag:s21] =	ssyncadd.s32 $0xFFFFE700;
	s21 =	sadd.s32 $0x1, s22  }
0x80: {  	s23 =	simm.s32 $0x1;
	s24 =	smul.u32 $0x1900, s21  }
0x81: {  	s23 =	simm.s32 @!p0 $0x0  }
0x82: {  	s25 =	sshll.u32 s23, $0x7;
	s24 =	sadd.s32 s4, s24  }
0x83: {  	s28 =	sand.u32 $0x1, s21;
	s23 =	sor.u32 $0x17200, s25;
	s29 =	sshrl.u32 s24, $0x3  }
0x84: {  	s26 =	sor.u32 $0x14000, s25;
	s24 =	sadd.s32 $0x1, s28;
	s25 =	sadd.s32 s3, s29  }
0x85: {  	s28 =	simm.s32 $0x10;
	s29 =	sadd.s32 $0x100, s26;
	s30 =	sadd.s32 $0x0, s25  }
.LBB2_13:
0x86: {  	[tilespmem:s26], [sflag:s24] =	stream.linear.gather [hbm4b:s30+s2], $0x80, $0x38;
	[tilespmem:$0x1CC00] =	vst v63  }
0x87: {  	s30 =	smov.u32 s28;
	s26 =	smov.u32 s29;
	p2 =	sne.s32 s28, $0x310  }
.Ltmp5:
0x88: {  	s28 =	sadd.s32 $0x10, s28;
	(pc) =	sbr.rel @p2 .LBB2_13-.Ltmp5, $2  }
0x89: {  	_ =	sdelay $0x2  }
0x8a: {  	s29 =	sadd.s32 $0x100, s29;
	s30 =	sadd.s32 s30, s25  }
0x8b: {  	[tilespmem:s26], [sflag:s24] =	stream.linear.gather [hbm4b:s30+s2], $0x80, $0x38;
	[tilespmem:$0x1CC00] =	vst v63  }
0x8c: {  	s25 =	sadd.s32 $0x9C40, s25  }
0x8d: {  	s26 =	simm.s32 $0x10;
	s28 =	sadd.s32 $0x100, s23;
	s29 =	sadd.s32 $0x0, s25  }
.LBB2_15:
0x8e: {  	[tilespmem:s23], [sflag:s24] =	stream.linear.gather [hbm4b:s29+s2], $0x80, $0x38;
	[tilespmem:$0x1CC00] =	vst v63  }
0x8f: {  	s29 =	smov.u32 s26;
	s23 =	smov.u32 s28;
	p2 =	sne.s32 s26, $0x310  }
.Ltmp6:
0x90: {  	s26 =	sadd.s32 $0x10, s26;
	(pc) =	sbr.rel @p2 .LBB2_15-.Ltmp6, $2  }
0x91: {  	_ =	sdelay $0x2  }
0x92: {  	s28 =	sadd.s32 $0x100, s28;
	s29 =	sadd.s32 s29, s25  }
0x93: {  	[tilespmem:s23], [sflag:s24] =	stream.linear.gather [hbm4b:s29+s2], $0x80, $0x38;
	[tilespmem:$0x1CC00] =	vst v63  }
.LBB2_17:
0x94: {  	s22 =	sshll.u32 s22, $0x7  }
0x95: {  	s23 =	sand.u32 $0x80, s22  }
0x96: {  	v3 =	vmov s23;
	_ =	sdelay $0x1  }
0x97: {  	s0 =	sadd.s32 $0xFFFFFFF0, s12;
	s24 =	sadd.s32 $0xFFFFFFE0, s11  }
0x98: {  	s25 =	sadd.s32 $0xFFFFFFA0, s11;
	s22 =	sand.u32 $0x70, s0;
	s24 =	sand.u32 $0x7F00, s24  }
0x99: {  	s1 =	sadd.s32 $0xFFFFFFD0, s12;
	s29 =	sadd.s32 $0xFFFFFFE0, s12;
	s22 =	sor.u32 s22, s24  }
0x9a: {  	s30 =	sadd.s32 $0xFFFFFFC0, s11;
	s28 =	sand.u32 $0x7F00, s11;
	s24 =	simm.s32 $0x1;
	v5 =	vld.idx.msk [tilespmem:v3+s22+$0x17200 ss:$0x1], $0xffff  }
0x9b: {  	s25 =	sand.u32 $0x7F00, s25;
	s26 =	sand.u32 $0x70, s1;
	s24 =	simm.s32 @!p1 $0x0  }
0x9c: {  	s22 =	sor.u32 s26, s25;
	s25 =	sand.u32 $0x70, s29;
	s26 =	sand.u32 $0x70, s12  }
0x9d: {  	s29 =	sadd.s32 $0x80, s11;
	v6 =	vld.idx.msk [tilespmem:v3+s22+$0x17200 ss:$0x1], $0xffff;
	s22 =	sshll.u32 s24, $0x7;
	s24 =	sand.u32 $0x7F00, s30  }
0x9e: {  	s30 =	sadd.s32 $0x40, s12;
	s31 =	sor.u32 s26, s28;
	s1 =	sadd.s32 $0xFFFFFFE0, s29  }
0x9f: {  	s24 =	sor.u32 s25, s24;
	s0 =	sadd.s32 $0xFFFFFFF0, s30;
	v7 =	vld.idx.msk [tilespmem:v3+s31+$0x17200 ss:$0x1], $0xffff;
	s26 =	sand.u32 $0x7F00, s1  }
0xa0: {  	s31 =	sadd.s32 $0xFFFFFFA0, s29;
	s28 =	sadd.s32 $0xFFFFFFE0, s30;
	v4 =	vld.idx.msk [tilespmem:v3+s24+$0x17200 ss:$0x1], $0xffff;
	s24 =	sand.u32 $0x70, s0  }
0xa1: {  	s24 =	sor.u32 s24, s26;
	s26 =	sand.u32 $0x7F00, s31;
	s31 =	sadd.s32 $0xFFFFFFC0, s29  }
0xa2: {  	s25 =	sand.u32 $0x70, s28;
	s28 =	sand.u32 $0x7F00, s31;
	[tilespmem:v5+s14+$0x0] =	vst.idx.add.f32.msk $0xffff, v1  }
0xa3: {  	s0 =	sadd.s32 $0xFFFFFFD0, s30;
	s25 =	sor.u32 s25, s28;
	v5 =	vld.idx.msk [tilespmem:v3+s24+$0x17200 ss:$0x1], $0xffff  }
0xa4: {  	s1 =	sand.u32 $0x70, s0;
	v9 =	vld.idx.msk [tilespmem:v3+s25+$0x17200 ss:$0x1], $0xffff  }
0xa5: {  	s0 =	sand.u32 $0x70, s30;
	s24 =	sor.u32 s1, s26;
	s1 =	sand.u32 $0x7F00, s29;
	[tilespmem:v6+s14+$0x0] =	vst.idx.add.f32.msk $0xffff, v1  }
0xa6: {  	s28 =	sadd.s32 $0x40, s30;
	s25 =	simm.s32 $0x4;
	v6 =	vld.idx.msk [tilespmem:v3+s24+$0x17200 ss:$0x1], $0xffff;
	s26 =	sor.u32 s0, s1  }
0xa7: {  	s24 =	sor.u32 $0x14040, s22;
	s22 =	sor.u32 $0x17240, s22;
	v8 =	vld.idx.msk [tilespmem:v3+s26+$0x17200 ss:$0x1], $0xffff;
	s26 =	sadd.s32 $0x80, s29  }
.LBB2_18:
0xa8: {  	s29 =	sadd.s32 $0xFFFFFFF0, s28  }
0xa9: {  	s30 =	sadd.s32 $0xFFFFFFE0, s26;
	s25 =	sadd.s32 $0x4, s25;
	[tilespmem:v4+s14+$0x0] =	vst.idx.add.f32.msk $0xffff, v1;
	s31 =	sadd.s32 $0xFFFFFFA0, s26  }
0xaa: {  	s29 =	sand.u32 $0x70, s29;
	s30 =	sand.u32 $0x7F00, s30;
	p2 =	slt.u32 s25, $0x14;
	[tilespmem:v7+s14+$0x0] =	vst.idx.add.f32.msk $0xffff, v1  }
0xab: {  	s0 =	sadd.s32 $0xFFFFFFE0, s28;
	s1 =	sadd.s32 $0xFFFFFFC0, s26;
	s29 =	sor.u32 s29, s30;
	[tilespmem:v5+s14+$0x0] =	vst.idx.add.f32.msk $0xffff, v1  }
0xac: {  	s31 =	sand.u32 $0x7F00, s31;
	s0 =	sand.u32 $0x70, s0;
	s30 =	sadd.s32 $0xFFFFFFD0, s28;
	v5 =	vld.idx.msk [tilespmem:v3+s29+$0x17200 ss:$0x1], $0xffff;
	v4 =	vmov v9  }
.Ltmp7:
0xad: {  	s1 =	sand.u32 $0x7F00, s1;
	s29 =	sand.u32 $0x70, s30;
	(pc) =	sbr.rel @p2 .LBB2_18-.Ltmp7, $4  }
0xae: {  	s30 =	sand.u32 $0x70, s28;
	s29 =	sor.u32 s29, s31;
	s31 =	sand.u32 $0x7F00, s26;
	v7 =	vmov v8;
	[tilespmem:v6+s14+$0x0] =	vst.idx.add.f32.msk $0xffff, v1  }
0xaf: {  	s0 =	sor.u32 s0, s1;
	s1 =	sor.u32 s30, s31;
	v6 =	vld.idx.msk [tilespmem:v3+s29+$0x17200 ss:$0x1], $0xffff  }
0xb0: {  	v9 =	vld.idx.msk [tilespmem:v3+s0+$0x17200 ss:$0x1], $0xffff  }
0xb1: {  	s28 =	sadd.s32 $0x40, s28;
	s26 =	sadd.s32 $0x80, s26;
	v8 =	vld.idx.msk [tilespmem:v3+s1+$0x17200 ss:$0x1], $0xffff  }
0xb2: {  	_ =	sdelay $0x3  }
0xb3: {  	[tilespmem:v4+s14+$0x0] =	vst.idx.add.f32.msk $0xffff, v1  }
0xb4: {  	[tilespmem:v7+s14+$0x0] =	vst.idx.add.f32.msk $0xffff, v1  }
0xb5: {  	[tilespmem:v5+s14+$0x0] =	vst.idx.add.f32.msk $0xffff, v1  }
0xb6: {  	[tilespmem:v6+s14+$0x0] =	vst.idx.add.f32.msk $0xffff, v1  }
0xb7: {  	[tilespmem:v9+s14+$0x0] =	vst.idx.add.f32.msk $0xffff, v1  }
0xb8: {  	[tilespmem:v8+s14+$0x0] =	vst.idx.add.f32.msk $0xffff, v1  }
0xb9: {  	v3 =	vld.idx.msk [tilespmem:v2+s23+$0x0 ss:$0x1], $0xffff;
	_ =	sdelay $0x7  }
0xba: {  	[tilespmem:v3+s14+$0x0] =	vst.idx.add.f32.msk $0xffff, v1  }
0xbb: {  	v7 =	vld [tilespmem:s24+$0x30]  }
0xbc: {  	v8 =	vld [tilespmem:s24+$0xFFFFFFD0]  }
0xbd: {  	v9 =	vld [tilespmem:s22+$0x30]  }
0xbe: {  	v10 =	vld [tilespmem:s24+$0xFFFFFFE0]  }
0xbf: {  	v6 =	vld [tilespmem:s24+$0xFFFFFFF0]  }
0xc0: {  	v5 =	vld [tilespmem:s24+$0x0]  }
0xc1: {  	v4 =	vld [tilespmem:s24+$0x10]  }
0xc2: {  	v3 =	vld [tilespmem:s24+$0x20]  }
0xc3: {  	v13 =	vld [tilespmem:s24+$0xFFFFFFC0]  }
0xc4: {  	v51 =	vld [tilespmem:s22+$0xFFFFFFC0]  }
0xc5: {  	v15 =	vld [tilespmem:s22+$0xFFFFFFD0]  }
0xc6: {  	v16 =	vld [tilespmem:s22+$0xFFFFFFE0]  }
0xc7: {  	v17 =	vld [tilespmem:s22+$0xFFFFFFF0]  }
0xc8: {  	v52 =	vld [tilespmem:s22+$0x0]  }
0xc9: {  	v19 =	vld [tilespmem:s22+$0x10]  }
0xca: {  	v21 =	vld [tilespmem:s22+$0x20]  }
0xcb: {  	v11 =	vshll.u32 v9, $0x2;
	v12 =	vld.idx.msk [tilespmem:v7+s2+$0x0], $0xffff  }
0xcc: {  	v9 =	vand.u32 $0x7F, v9;
	v11 =	vand.u32 $0xFFFFFE00, v11;
	v22 =	vld.idx.msk [tilespmem:v13+s2+$0x0], $0xffff  }
0xcd: {  	v14 =	vadd.s32 $0x2800, v7;
	v9 =	vor.u32 v9, v11;
	v23 =	vld.idx.msk [tilespmem:v8+s2+$0x0], $0xffff  }
0xce: {  	v26 =	vshll.u32 v16, $0x2;
	v28 =	vshll.u32 v17, $0x2;
	v16 =	vand.u32 $0x7F, v16;
	v24 =	vld.idx.msk [tilespmem:v10+s2+$0x0], $0xffff  }
0xcf: {  	v17 =	vand.u32 $0x7F, v17;
	v58 =	vand.u32 $0x7F, v19;
	v26 =	vand.u32 $0xFFFFFE00, v26;
	v27 =	vld.idx.msk [tilespmem:v6+s2+$0x0], $0xffff  }
0xd0: {  	v19 =	vshll.u32 v19, $0x2;
	v28 =	vand.u32 $0xFFFFFE00, v28;
	v16 =	vor.u32 v16, v26;
	v55 =	vld.idx.msk [tilespmem:v5+s2+$0x0], $0xffff  }
0xd1: {  	v19 =	vand.u32 $0xFFFFFE00, v19;
	v17 =	vor.u32 v17, v28;
	v56 =	vld.idx.msk [tilespmem:v4+s2+$0x0], $0xffff  }
0xd2: {  	v19 =	vor.u32 v58, v19;
	[tilespmem:v9+s15+$0x0] =	vst.idx.add.f32.msk $0xffff, v12  }
0xd3: {  	v18 =	vor.u32 $0x80, v9;
	v12 =	vld.idx.msk [tilespmem:v14+s2+$0x0], $0xffff  }
0xd4: {  	v20 =	vadd.s32 $0x5000, v7;
	v63 =	vadd.s32 $0x2800, v10;
	v11 =	vshll.u32 v51, $0x2;
	v29 =	vld.idx.msk [tilespmem:v3+s2+$0x0], $0xffff  }
0xd5: {  	v53 =	vand.u32 $0x7F, v51;
	v57 =	vshll.u32 v52, $0x2;
	v11 =	vand.u32 $0xFFFFFE00, v11;
	[tilespmem:v16+s15+$0x0] =	vst.idx.add.f32.msk $0xffff, v24  }
0xd6: {  	v26 =	vand.u32 $0xFFFFFE00, v57;
	v11 =	vor.u32 v53, v11;
	[tilespmem:v17+s15+$0x0] =	vst.idx.add.f32.msk $0xffff, v27;
	v14 =	vand.u32 $0x7F, v52  }
0xd7: {  	[tilespmem:v19+s15+$0x0] =	vst.idx.add.f32.msk $0xffff, v56;
	v14 =	vor.u32 v14, v26  }
0xd8: {  	v31 =	vadd.s32 $0x2800, v4;
	[tilespmem:v18+s15+$0x0] =	vst.idx.add.f32.msk $0xffff, v12  }
0xd9: {  	v54 =	vshll.u32 v15, $0x2;
	v35 =	vor.u32 $0x80, v16;
	v12 =	vld.idx.msk [tilespmem:v63+s2+$0x0], $0xffff  }
0xda: {  	v15 =	vand.u32 $0x7F, v15;
	v25 =	vor.u32 $0x100, v9;
	v18 =	vand.u32 $0xFFFFFE00, v54;
	v20 =	vld.idx.msk [tilespmem:v20+s2+$0x0], $0xffff  }
0xdb: {  	[tilespmem:v11+s15+$0x0] =	vst.idx.add.f32.msk $0xffff, v22;
	v15 =	vor.u32 v15, v18  }
0xdc: {  	v61 =	vadd.s32 $0x2800, v13;
	[tilespmem:v14+s15+$0x0] =	vst.idx.add.f32.msk $0xffff, v55  }
0xdd: {  	v38 =	vor.u32 $0x80, v19;
	v18 =	vld.idx.msk [tilespmem:v31+s2+$0x0], $0xffff  }
0xde: {  	v59 =	vshll.u32 v21, $0x2;
	v7 =	vadd.s32 $0x7800, v7;
	[tilespmem:v35+s15+$0x0] =	vst.idx.add.f32.msk $0xffff, v12  }
0xdf: {  	v21 =	vand.u32 $0x7F, v21;
	v62 =	vadd.s32 $0x2800, v8;
	v60 =	vand.u32 $0xFFFFFE00, v59;
	[tilespmem:v25+s15+$0x0] =	vst.idx.add.f32.msk $0xffff, v20  }
0xe0: {  	[tilespmem:v15+s15+$0x0] =	vst.idx.add.f32.msk $0xffff, v23;
	v20 =	vor.u32 v21, v60  }
0xe1: {  	v33 =	vor.u32 $0x80, v11;
	v21 =	vld.idx.msk [tilespmem:v61+s2+$0x0], $0xffff  }
0xe2: {  	v45 =	vadd.s32 $0x5000, v4;
	[tilespmem:v38+s15+$0x0] =	vst.idx.add.f32.msk $0xffff, v18  }
0xe3: {  	v9 =	vor.u32 $0x180, v9;
	v7 =	vld.idx.msk [tilespmem:v7+s2+$0x0], $0xffff  }
0xe4: {  	v28 =	vadd.s32 $0x2800, v6;
	v22 =	vld.idx.msk [tilespmem:v62+s2+$0x0], $0xffff  }
0xe5: {  	v30 =	vadd.s32 $0x2800, v5;
	[tilespmem:v20+s15+$0x0] =	vst.idx.add.f32.msk $0xffff, v29  }
0xe6: {  	v32 =	vadd.s32 $0x2800, v3;
	[tilespmem:v33+s15+$0x0] =	vst.idx.add.f32.msk $0xffff, v21  }
0xe7: {  	v34 =	vor.u32 $0x80, v15;
	v21 =	vld.idx.msk [tilespmem:v45+s2+$0x0], $0xffff  }
0xe8: {  	v40 =	vadd.s32 $0x5000, v13;
	[tilespmem:v9+s15+$0x0] =	vst.idx.add.f32.msk $0xffff, v7  }
0xe9: {  	v41 =	vadd.s32 $0x5000, v8;
	v7 =	vld.idx.msk [tilespmem:v28+s2+$0x0], $0xffff  }
0xea: {  	v52 =	vor.u32 $0x100, v19;
	v9 =	vld.idx.msk [tilespmem:v30+s2+$0x0], $0xffff  }
0xeb: {  	v36 =	vor.u32 $0x80, v17;
	v23 =	vld.idx.msk [tilespmem:v32+s2+$0x0], $0xffff  }
0xec: {  	v37 =	vor.u32 $0x80, v14;
	[tilespmem:v34+s15+$0x0] =	vst.idx.add.f32.msk $0xffff, v22  }
0xed: {  	v39 =	vor.u32 $0x80, v20;
	v22 =	vld.idx.msk [tilespmem:v40+s2+$0x0], $0xffff  }
0xee: {  	v42 =	vadd.s32 $0x5000, v10;
	v12 =	vld.idx.msk [tilespmem:v41+s2+$0x0], $0xffff  }
0xef: {  	v47 =	vor.u32 $0x100, v11;
	[tilespmem:v52+s15+$0x0] =	vst.idx.add.f32.msk $0xffff, v21  }
0xf0: {  	v4 =	vadd.s32 $0x7800, v4;
	[tilespmem:v36+s15+$0x0] =	vst.idx.add.f32.msk $0xffff, v7  }
0xf1: {  	v43 =	vadd.s32 $0x5000, v6;
	[tilespmem:v37+s15+$0x0] =	vst.idx.add.f32.msk $0xffff, v9  }
0xf2: {  	v44 =	vadd.s32 $0x5000, v5;
	[tilespmem:v39+s15+$0x0] =	vst.idx.add.f32.msk $0xffff, v23  }
0xf3: {  	v46 =	vadd.s32 $0x5000, v3;
	v7 =	vld.idx.msk [tilespmem:v42+s2+$0x0], $0xffff  }
0xf4: {  	v48 =	vor.u32 $0x100, v15;
	[tilespmem:v47+s15+$0x0] =	vst.idx.add.f32.msk $0xffff, v22  }
0xf5: {  	v54 =	vadd.s32 $0x7800, v13;
	v4 =	vld.idx.msk [tilespmem:v4+s2+$0x0], $0xffff  }
0xf6: {  	v49 =	vor.u32 $0x100, v16;
	v9 =	vld.idx.msk [tilespmem:v43+s2+$0x0], $0xffff  }
0xf7: {  	v55 =	vadd.s32 $0x7800, v8;
	v18 =	vld.idx.msk [tilespmem:v44+s2+$0x0], $0xffff  }
0xf8: {  	v62 =	vor.u32 $0x180, v19;
	v23 =	vld.idx.msk [tilespmem:v46+s2+$0x0], $0xffff  }
0xf9: {  	v50 =	vor.u32 $0x100, v17;
	[tilespmem:v48+s15+$0x0] =	vst.idx.add.f32.msk $0xffff, v12  }
0xfa: {  	v51 =	vor.u32 $0x100, v14;
	v57 =	vld.idx.msk [tilespmem:v54+s2+$0x0], $0xffff  }
0xfb: {  	v53 =	vor.u32 $0x100, v20;
	[tilespmem:v49+s15+$0x0] =	vst.idx.add.f32.msk $0xffff, v7  }
0xfc: {  	v56 =	vadd.s32 $0x7800, v10;
	v7 =	vld.idx.msk [tilespmem:v55+s2+$0x0], $0xffff  }
0xfd: {  	v58 =	vor.u32 $0x180, v11;
	[tilespmem:v62+s15+$0x0] =	vst.idx.add.f32.msk $0xffff, v4  }
0xfe: {  	v6 =	vadd.s32 $0x7800, v6;
	[tilespmem:v50+s15+$0x0] =	vst.idx.add.f32.msk $0xffff, v9  }
0xff: {  	v5 =	vadd.s32 $0x7800, v5;
	[tilespmem:v51+s15+$0x0] =	vst.idx.add.f32.msk $0xffff, v18  }
0x100: {  	v3 =	vadd.s32 $0x7800, v3;
	[tilespmem:v53+s15+$0x0] =	vst.idx.add.f32.msk $0xffff, v23  }
0x101: {  	v59 =	vor.u32 $0x180, v15;
	v8 =	vld.idx.msk [tilespmem:v56+s2+$0x0], $0xffff  }
0x102: {  	v60 =	vor.u32 $0x180, v16;
	[tilespmem:v58+s15+$0x0] =	vst.idx.add.f32.msk $0xffff, v57  }
0x103: {  	v61 =	vor.u32 $0x180, v17;
	v6 =	vld.idx.msk [tilespmem:v6+s2+$0x0], $0xffff  }
0x104: {  	v14 =	vor.u32 $0x180, v14;
	v5 =	vld.idx.msk [tilespmem:v5+s2+$0x0], $0xffff  }
0x105: {  	v63 =	vor.u32 $0x180, v20;
	v3 =	vld.idx.msk [tilespmem:v3+s2+$0x0], $0xffff  }
0x106: {  	[tilespmem:v59+s15+$0x0] =	vst.idx.add.f32.msk $0xffff, v7  }
0x107: {  	[tilespmem:v60+s15+$0x0] =	vst.idx.add.f32.msk $0xffff, v8  }
0x108: {  	[tilespmem:v61+s15+$0x0] =	vst.idx.add.f32.msk $0xffff, v6  }
0x109: {  	[tilespmem:v14+s15+$0x0] =	vst.idx.add.f32.msk $0xffff, v5  }
0x10a: {  	s23 =	simm.s32 $0x0;
	s24 =	sadd.s32 $0x100, s24;
	[tilespmem:v63+s15+$0x0] =	vst.idx.add.f32.msk $0xffff, v3  }
.LBB2_20:
0x10b: {  	v22 =	vld [tilespmem:s24+$0x30];
	s23 =	sadd.s32 $0x8, s23  }
0x10c: {  	s22 =	sadd.s32 $0x100, s22;
	v23 =	vld [tilespmem:s24+$0xFFFFFFD0];
	p2 =	slt.u32 s23, $0x188  }
0x10d: {  	v4 =	vld [tilespmem:s22+$0x30]  }
0x10e: {  	v24 =	vld [tilespmem:s24+$0xFFFFFFE0]  }
0x10f: {  	v25 =	vld [tilespmem:s24+$0xFFFFFFF0]  }
0x110: {  	v26 =	vld [tilespmem:s24+$0x0]  }
0x111: {  	v16 =	vadd.s32 $0x2800, v23;
	v6 =	vadd.s32 $0x5000, v23;
	v3 =	vadd.s32 $0x7800, v23;
	v27 =	vld [tilespmem:s24+$0x10]  }
0x112: {  	v28 =	vld [tilespmem:s24+$0x20];
	v5 =	vshll.u32 v4, $0x2  }
0x113: {  	v4 =	vand.u32 $0x7F, v4;
	v17 =	vadd.s32 $0x2800, v24;
	v9 =	vld.idx.msk [tilespmem:v22+s2+$0x0], $0xffff;
	v5 =	vand.u32 $0xFFFFFE00, v5  }
0x114: {  	v10 =	vadd.s32 $0x5000, v24;
	v29 =	vld [tilespmem:s24+$0xFFFFFFC0];
	v18 =	vadd.s32 $0x2800, v25;
	v30 =	vor.u32 v4, v5  }
0x115: {  	v32 =	vadd.s32 $0x2800, v22;
	v12 =	vadd.s32 $0x5000, v25;
	v31 =	vld [tilespmem:s22+$0xFFFFFFC0];
	v20 =	vadd.s32 $0x2800, v26  }
0x116: {  	v13 =	vadd.s32 $0x5000, v26;
	v33 =	vld [tilespmem:s22+$0xFFFFFFD0];
	v21 =	vadd.s32 $0x2800, v27;
	v14 =	vadd.s32 $0x5000, v27  }
0x117: {  	v4 =	vadd.s32 $0x7800, v24;
	v34 =	vld [tilespmem:s22+$0xFFFFFFE0];
	v35 =	vadd.s32 $0x2800, v28;
	v15 =	vadd.s32 $0x5000, v28  }
0x118: {  	v8 =	vadd.s32 $0x7800, v25;
	v7 =	vadd.s32 $0x7800, v26;
	v5 =	vadd.s32 $0x7800, v27;
	v36 =	vld [tilespmem:s22+$0xFFFFFFF0]  }
0x119: {  	v37 =	vadd.s32 $0x2800, v29;
	v19 =	vadd.s32 $0x5000, v29;
	v11 =	vadd.s32 $0x7800, v29;
	[tilespmem:v30+s15+$0x0] =	vst.idx.add.f32.msk $0xffff, v9  }
0x11a: {  	v9 =	vadd.s32 $0x7800, v28;
	v38 =	vand.u32 $0x7F, v31;
	v31 =	vshll.u32 v31, $0x2;
	v32 =	vld.idx.msk [tilespmem:v32+s2+$0x0], $0xffff  }
0x11b: {  	v41 =	vor.u32 $0x80, v30;
	v31 =	vand.u32 $0xFFFFFE00, v31;
	v39 =	vshll.u32 v33, $0x2;
	v40 =	vld [tilespmem:s22+$0x0]  }
0x11c: {  	v44 =	vadd.s32 $0x5000, v22;
	v39 =	vand.u32 $0xFFFFFE00, v39;
	v42 =	vshll.u32 v34, $0x2;
	v43 =	vld [tilespmem:s22+$0x10]  }
0x11d: {  	v33 =	vand.u32 $0x7F, v33;
	v42 =	vand.u32 $0xFFFFFE00, v42;
	v45 =	vshll.u32 v36, $0x2;
	v46 =	vld [tilespmem:s22+$0x20]  }
0x11e: {  	v34 =	vand.u32 $0x7F, v34;
	v36 =	vand.u32 $0x7F, v36;
	v29 =	vld.idx.msk [tilespmem:v29+s2+$0x0], $0xffff;
	v45 =	vand.u32 $0xFFFFFE00, v45  }
0x11f: {  	v31 =	vor.u32 v38, v31;
	v33 =	vor.u32 v33, v39;
	v34 =	vor.u32 v34, v42;
	v23 =	vld.idx.msk [tilespmem:v23+s2+$0x0], $0xffff  }
0x120: {  	v36 =	vor.u32 v36, v45;
	v38 =	vand.u32 $0x7F, v40;
	v39 =	vshll.u32 v40, $0x2;
	[tilespmem:v41+s15+$0x0] =	vst.idx.add.f32.msk $0xffff, v32  }
0x121: {  	v32 =	vand.u32 $0xFFFFFE00, v39;
	v39 =	vand.u32 $0x7F, v43;
	v40 =	vshll.u32 v43, $0x2;
	v41 =	vld.idx.msk [tilespmem:v44+s2+$0x0], $0xffff  }
0x122: {  	v43 =	vor.u32 $0x100, v30;
	v24 =	vld.idx.msk [tilespmem:v24+s2+$0x0], $0xffff;
	v40 =	vand.u32 $0xFFFFFE00, v40;
	v42 =	vshll.u32 v46, $0x2  }
0x123: {  	v22 =	vadd.s32 $0x7800, v22;
	v44 =	vand.u32 $0x7F, v46;
	v25 =	vld.idx.msk [tilespmem:v25+s2+$0x0], $0xffff;
	v42 =	vand.u32 $0xFFFFFE00, v42  }
0x124: {  	v32 =	vor.u32 v38, v32;
	v38 =	vor.u32 v39, v40;
	v26 =	vld.idx.msk [tilespmem:v26+s2+$0x0], $0xffff;
	v39 =	vor.u32 v44, v42  }
0x125: {  	v40 =	vor.u32 $0x80, v31;
	v42 =	vor.u32 $0x80, v33;
	v44 =	vor.u32 $0x80, v34;
	v27 =	vld.idx.msk [tilespmem:v27+s2+$0x0], $0xffff  }
0x126: {  	v45 =	vor.u32 $0x80, v36;
	v46 =	vor.u32 $0x80, v32;
	v47 =	vor.u32 $0x80, v38;
	v28 =	vld.idx.msk [tilespmem:v28+s2+$0x0], $0xffff  }
0x127: {  	v48 =	vor.u32 $0x100, v31;
	v49 =	vor.u32 $0x100, v33;
	v50 =	vor.u32 $0x80, v39;
	[tilespmem:v43+s15+$0x0] =	vst.idx.add.f32.msk $0xffff, v41  }
0x128: {  	v51 =	vor.u32 $0x100, v32;
	v41 =	vor.u32 $0x100, v34;
	v43 =	vor.u32 $0x100, v36;
	v22 =	vld.idx.msk [tilespmem:v22+s2+$0x0], $0xffff  }
0x129: {  	v30 =	vor.u32 $0x180, v30;
	v52 =	vor.u32 $0x100, v39;
	[tilespmem:v31+s15+$0x0] =	vst.idx.add.f32.msk $0xffff, v29;
	v29 =	vor.u32 $0x100, v38  }
0x12a: {  	v31 =	vor.u32 $0x180, v31;
	[tilespmem:v33+s15+$0x0] =	vst.idx.add.f32.msk $0xffff, v23;
	v23 =	vor.u32 $0x180, v33;
	v33 =	vor.u32 $0x180, v34  }
0x12b: {  	v53 =	vor.u32 $0x180, v38;
	[tilespmem:v34+s15+$0x0] =	vst.idx.add.f32.msk $0xffff, v24;
	v24 =	vor.u32 $0x180, v36;
	v34 =	vor.u32 $0x180, v32  }
0x12c: {  	[tilespmem:v36+s15+$0x0] =	vst.idx.add.f32.msk $0xffff, v25;
	v25 =	vor.u32 $0x180, v39  }
0x12d: {  	[tilespmem:v32+s15+$0x0] =	vst.idx.add.f32.msk $0xffff, v26  }
0x12e: {  	[tilespmem:v30+s15+$0x0] =	vst.idx.add.f32.msk $0xffff, v22  }
0x12f: {  	[tilespmem:v38+s15+$0x0] =	vst.idx.add.f32.msk $0xffff, v27  }
0x130: {  	[tilespmem:v39+s15+$0x0] =	vst.idx.add.f32.msk $0xffff, v28  }
0x131: {  	v22 =	vld.idx.msk [tilespmem:v37+s2+$0x0], $0xffff  }
0x132: {  	v16 =	vld.idx.msk [tilespmem:v16+s2+$0x0], $0xffff  }
0x133: {  	v17 =	vld.idx.msk [tilespmem:v17+s2+$0x0], $0xffff  }
0x134: {  	v18 =	vld.idx.msk [tilespmem:v18+s2+$0x0], $0xffff  }
0x135: {  	v20 =	vld.idx.msk [tilespmem:v20+s2+$0x0], $0xffff  }
0x136: {  	v21 =	vld.idx.msk [tilespmem:v21+s2+$0x0], $0xffff  }
0x137: {  	v26 =	vld.idx.msk [tilespmem:v35+s2+$0x0], $0xffff  }
0x138: {  	[tilespmem:v40+s15+$0x0] =	vst.idx.add.f32.msk $0xffff, v22  }
0x139: {  	[tilespmem:v42+s15+$0x0] =	vst.idx.add.f32.msk $0xffff, v16  }
0x13a: {  	[tilespmem:v44+s15+$0x0] =	vst.idx.add.f32.msk $0xffff, v17  }
0x13b: {  	[tilespmem:v45+s15+$0x0] =	vst.idx.add.f32.msk $0xffff, v18  }
0x13c: {  	[tilespmem:v46+s15+$0x0] =	vst.idx.add.f32.msk $0xffff, v20  }
0x13d: {  	[tilespmem:v47+s15+$0x0] =	vst.idx.add.f32.msk $0xffff, v21  }
0x13e: {  	[tilespmem:v50+s15+$0x0] =	vst.idx.add.f32.msk $0xffff, v26  }
0x13f: {  	v16 =	vld.idx.msk [tilespmem:v19+s2+$0x0], $0xffff  }
0x140: {  	v6 =	vld.idx.msk [tilespmem:v6+s2+$0x0], $0xffff  }
0x141: {  	v10 =	vld.idx.msk [tilespmem:v10+s2+$0x0], $0xffff  }
0x142: {  	v12 =	vld.idx.msk [tilespmem:v12+s2+$0x0], $0xffff  }
0x143: {  	v13 =	vld.idx.msk [tilespmem:v13+s2+$0x0], $0xffff  }
0x144: {  	v14 =	vld.idx.msk [tilespmem:v14+s2+$0x0], $0xffff  }
0x145: {  	v15 =	vld.idx.msk [tilespmem:v15+s2+$0x0], $0xffff  }
0x146: {  	[tilespmem:v48+s15+$0x0] =	vst.idx.add.f32.msk $0xffff, v16  }
0x147: {  	[tilespmem:v49+s15+$0x0] =	vst.idx.add.f32.msk $0xffff, v6  }
0x148: {  	[tilespmem:v41+s15+$0x0] =	vst.idx.add.f32.msk $0xffff, v10  }
0x149: {  	[tilespmem:v43+s15+$0x0] =	vst.idx.add.f32.msk $0xffff, v12  }
0x14a: {  	[tilespmem:v51+s15+$0x0] =	vst.idx.add.f32.msk $0xffff, v13  }
0x14b: {  	[tilespmem:v29+s15+$0x0] =	vst.idx.add.f32.msk $0xffff, v14  }
0x14c: {  	[tilespmem:v52+s15+$0x0] =	vst.idx.add.f32.msk $0xffff, v15  }
0x14d: {  	v6 =	vld.idx.msk [tilespmem:v11+s2+$0x0], $0xffff  }
0x14e: {  	v3 =	vld.idx.msk [tilespmem:v3+s2+$0x0], $0xffff  }
0x14f: {  	v4 =	vld.idx.msk [tilespmem:v4+s2+$0x0], $0xffff  }
0x150: {  	v8 =	vld.idx.msk [tilespmem:v8+s2+$0x0], $0xffff  }
0x151: {  	v7 =	vld.idx.msk [tilespmem:v7+s2+$0x0], $0xffff  }
0x152: {  	v5 =	vld.idx.msk [tilespmem:v5+s2+$0x0], $0xffff  }
0x153: {  	v9 =	vld.idx.msk [tilespmem:v9+s2+$0x0], $0xffff  }
0x154: {  	[tilespmem:v31+s15+$0x0] =	vst.idx.add.f32.msk $0xffff, v6  }
0x155: {  	[tilespmem:v23+s15+$0x0] =	vst.idx.add.f32.msk $0xffff, v3  }
.Ltmp8:
0x156: {  	[tilespmem:v33+s15+$0x0] =	vst.idx.add.f32.msk $0xffff, v4;
	(pc) =	sbr.rel @p2 .LBB2_20-.Ltmp8, $4  }
0x157: {  	[tilespmem:v24+s15+$0x0] =	vst.idx.add.f32.msk $0xffff, v8  }
0x158: {  	[tilespmem:v34+s15+$0x0] =	vst.idx.add.f32.msk $0xffff, v7  }
0x159: {  	[tilespmem:v53+s15+$0x0] =	vst.idx.add.f32.msk $0xffff, v5  }
0x15a: {  	s24 =	sadd.s32 $0x100, s24;
	[tilespmem:v25+s15+$0x0] =	vst.idx.add.f32.msk $0xffff, v9  }
0x15b: {  	p2 =	seq.s32 s21, $0x19  }
.Ltmp9:
0x15c: {  	_ = 	snop;
	(pc) =	sbr.rel @!p2 .LBB2_11-.Ltmp9, $2  }
0x15d: {  	_ =	sdelay $0x2  }
0x15e: {  	p0 =	por !p0, !p0;
	p1 =	por !p1, !p1;
	s22 =	smov.u32 s21  }
0x15f: {  	[hbm4b:s8+s16] =	stream.strided.scatter [tilespmem:s15], [sflag:$0x4], $0xA000, s17, s16, $0x38;
	[tilespmem:$0x1CC00] =	vst v63  }
0x160: {  	s20 =	sadd.s32 $0x1, s20;
	_ =	swait.ge [sflag:s18], $0xA000  }
0x161: {  	p0 =	sne.s32 s20, s10;
	[sflag:s18] =	ssyncset.done $0x0  }
.Ltmp10:
0x162: {  	[sflag:s18] =	ssyncadd.s32 $0xFFFF6000;
	(pc) =	sbr.rel @p0 .LBB2_1-.Ltmp10, $4  }
0x163: {  	[hbm4b:s9+s19] =	stream.strided.scatter [tilespmem:s14], [sflag:$0x4], $0x2800, s17, s19, $0x38;
	[tilespmem:$0x1CC00] =	vst v63  }
0x164: {  	_ =	swait.ge [sflag:s18], $0x2800  }
0x165: {  	[sflag:s18] =	ssyncset.done $0x0  }
0x166: {  	[sflag:s18] =	ssyncadd.s32 $0xFFFFD800  }
0x167: {  	_ =	sfence.sel $0x180000  }
0x168: {  	[bflag:$0x0] =	sbarrier.arrive $0xFFFF  }
0x169: {  	_ =	strace $0x90000047  }
0x16a: {  	s0 =	stileid.u32;
	[bflag:$0x2] =	sbarrier.arrive $0xFFFF  }
0x16b: {  	p0 =	sne.s32 s0, $0x0;
	s0 =	rddreg [dreg:$0x1]  }
0x16c: {  	s0 =	sadd.s32 @!p0 $0x100000, s0  }
0x16d: {  	[sflag:s0] =	ssyncadd.tile.s32 @!p0 $0x1;
	_ =	shalt  }
.Lfunc_end2:
_tile_overlayer_lowered:
.L_overlay_start_2:
0x16e: {  	(tag) =	ssettag $0x2  }
0x16f: {  	s0 =	rddreg [dreg:$0x0];
	s2 =	stileid.u32  }
0x170: {  	s1 =	rddreg [dreg:$0x1];
	p0 =	sne.s32 s2, $0x0  }
0x171: {  	s3 =	rddreg [dreg:$0x2];
	[bflag:$0x3] =	sbarrier.arrive $0xFFFF;
	s2 =	simm.s32 @!p0 $0x1C04  }
0x172: {  	[timem:s3], [sflag:s2] =	dma.local @!p0 [hbm:s0], s1  }
0x173: {  	s0 =	simm.s32 @!p0 $0x4  }
0x174: {  	_ =	swait.ge @!p0 [sflag:s0], s1  }
0x175: {  	s1 =	ssub.s32 @!p0 $0x0, s1;
	[sflag:s0] =	ssyncset.done @!p0 $0x0  }
0x176: {  	[sflag:s0] =	ssyncadd.s32 @!p0 s1  }
0x177: {  	[bflag:$0x3] =	sbarrier.arrive $0xFFFF  }
0x178: {  	_ =	shalt  }

</sc_bundles>
